<compile_context>
chip_gen: v7x
topology: tpu7x:2x2x1
jax: 0.10.2.dev20260603
libtpu: 0.0.44.dev20260713+nightly
codegen_flags: <defaults>
</compile_context>

<pallas_src>
import jax
import jax.numpy as jnp
from jax import lax
from jax.experimental import pallas as pl
from jax.experimental.pallas import tpu as pltpu
from jax.experimental.pallas import tpu_sc as plsc

VOCAB = 100000
EMBED = 128
BATCH = 1024
HIST = 200

_NC = 2
_NS = 16
_NW = _NC * _NS

_B = BATCH * HIST
_B_PER_W = _B // _NW
_CHUNK = 128
_N_CHUNKS = _B_PER_W // _CHUNK
_NB = 5
_LA = 3


def _emb_kernel(table_hbm, idx_hbm, out_hbm, idx_all, *bufs_and_sems):
    rows = bufs_and_sems[:_NB]
    gsem = bufs_and_sems[_NB:2 * _NB]
    wsem = bufs_and_sems[2 * _NB:3 * _NB]
    isem = bufs_and_sems[3 * _NB]

    wid = lax.axis_index("s") * _NC + lax.axis_index("c")
    base = wid * _B_PER_W

    _PART = _B_PER_W // 5
    pltpu.sync_copy(idx_hbm.at[pl.ds(base, _PART)], idx_all.at[pl.ds(0, _PART)])
    for p in range(1, 5):
        pltpu.async_copy(idx_hbm.at[pl.ds(base + p * _PART, _PART)],
                         idx_all.at[pl.ds(p * _PART, _PART)], isem)

    def gather(slot, g):
        pltpu.async_copy(
            table_hbm.at[idx_all.at[pl.ds(g * _CHUNK, _CHUNK)]],
            rows[slot], gsem[slot])

    def writeback(slot, g):
        pltpu.async_copy(
            rows[slot], out_hbm.at[pl.ds(base + g * _CHUNK, _CHUNK)],
            wsem[slot])

    for p in range(_LA):
        gather(p, p)

    def body(go, _):
        @pl.when(go == _NB)
        def _():
            for p in range(1, 5):
                pltpu.make_async_copy(
                    idx_hbm.at[pl.ds(0, _B_PER_W // 5)],
                    idx_all.at[pl.ds(0, _B_PER_W // 5)], isem).wait()

        for b in range(_NB):
            g = go + b
            nb = (b + _LA) % _NB

            @pl.when(g + _LA < _N_CHUNKS)
            def _():
                @pl.when(g + _LA >= _NB)
                def _():
                    pltpu.make_async_copy(
                        rows[nb],
                        out_hbm.at[pl.ds(0, _CHUNK)],
                        wsem[nb]).wait()
                gather(nb, g + _LA)

            pltpu.make_async_copy(
                table_hbm.at[idx_all.at[pl.ds(0, _CHUNK)]],
                rows[b], gsem[b]).wait()
            writeback(b, g)
        return ()

    lax.fori_loop(0, _N_CHUNKS // _NB, lambda i, c: body(i * _NB, c), (),
                  unroll=False)

    for b in range(_NB):
        pltpu.make_async_copy(
            rows[b], out_hbm.at[pl.ds(0, _CHUNK)], wsem[b]).wait()


@jax.jit
def _run(x_flat, weight):
    mesh = plsc.VectorSubcoreMesh(core_axis_name="c", subcore_axis_name="s")
    scratch = [pltpu.VMEM((_B_PER_W,), jnp.int32)]
    scratch += [pltpu.VMEM((_CHUNK, EMBED), jnp.float32) for _ in range(_NB)]
    scratch += [pltpu.SemaphoreType.DMA for _ in range(2 * _NB + 1)]
    return pl.kernel(
        _emb_kernel,
        out_type=jax.ShapeDtypeStruct((_B, EMBED), jnp.float32),
        mesh=mesh,
        scratch_types=scratch,
    )(weight, x_flat)


def kernel(x, weight):
    out = _run(x.reshape(_B).astype(jnp.int32), weight)
    return out.reshape(BATCH, HIST, EMBED)

# --- scband reference (transcript-rebuilt; emitter-appended) ---
"""Pipeline reference for scband-user-embedding-61117384622711 (READ-ONLY COPY).

The authoritative reference and input builder live on the scoring server;
editing this copy changes nothing except your own understanding.
"""

import jax, jax.numpy as jnp
import numpy as np

VOCAB = 100000
EMBED = 128
BATCH = 1024
HIST = 200

def setup_inputs(seed: int = 0) -> dict:
    key = jax.random.key(seed)
    k_idx, k_w = jax.random.split(key)
    x = jax.random.randint(k_idx, (BATCH, HIST), 0, VOCAB, dtype=jnp.int64 if jax.config.read('jax_enable_x64') else jnp.int32)
    weight = jax.random.normal(k_w, (VOCAB, EMBED), dtype=jnp.float32)
    return {"x": x, "weight": weight}

def reference(x, weight):
    # torch.nn.Embedding lookup: out[b, t, :] = weight[x[b, t], :]
    return jnp.take(weight, x, axis=0)

if __name__ == "__main__":
    import jax
    _d = setup_inputs()
    print(jax.jit(kernel)(*tuple(_d.values())))

</pallas_src>

<mosaic_0001>
#map = affine_map<(d0, d1) -> (0, 0)>
#map1 = affine_map<(d0, d1) -> (0)>
module attributes {stable_mosaic.version = 14 : i64} {
  func.func @_emb_kernel(%arg0: i32, %arg1: i32, %arg2: memref<100000x128xf32, #tpu.memory_space<hbm>>, %arg3: memref<204800xi32, #tpu.memory_space<hbm>>, %arg4: memref<204800x128xf32, #tpu.memory_space<hbm>>, %arg5: memref<6400xi32, #tpu.memory_space<vmem>>, %arg6: memref<128x128xf32, #tpu.memory_space<vmem>>, %arg7: memref<128x128xf32, #tpu.memory_space<vmem>>, %arg8: memref<128x128xf32, #tpu.memory_space<vmem>>, %arg9: memref<128x128xf32, #tpu.memory_space<vmem>>, %arg10: memref<128x128xf32, #tpu.memory_space<vmem>>, %arg11: memref<!tpu.dma_semaphore, #tpu.memory_space<semaphore_mem>>, %arg12: memref<!tpu.dma_semaphore, #tpu.memory_space<semaphore_mem>>, %arg13: memref<!tpu.dma_semaphore, #tpu.memory_space<semaphore_mem>>, %arg14: memref<!tpu.dma_semaphore, #tpu.memory_space<semaphore_mem>>, %arg15: memref<!tpu.dma_semaphore, #tpu.memory_space<semaphore_mem>>, %arg16: memref<!tpu.dma_semaphore, #tpu.memory_space<semaphore_mem>>, %arg17: memref<!tpu.dma_semaphore, #tpu.memory_space<semaphore_mem>>, %arg18: memref<!tpu.dma_semaphore, #tpu.memory_space<semaphore_mem>>, %arg19: memref<!tpu.dma_semaphore, #tpu.memory_space<semaphore_mem>>, %arg20: memref<!tpu.dma_semaphore, #tpu.memory_space<semaphore_mem>>, %arg21: memref<!tpu.dma_semaphore, #tpu.memory_space<semaphore_mem>>) attributes {dimension_semantics = [#tpu.dimension_semantics<core_parallel>, #tpu.dimension_semantics<subcore_parallel>], iteration_bounds = array<i64: 2, 16>, scalar_prefetch = 0 : i64, scratch_operands = 17 : i64, tpu.core_type = #tpu.core_type<sc_vector_subcore>, window_params = [{transform_indices = #map}, {transform_indices = #map1}, {transform_indices = #map}]} {
    %mul3A = arith.constant 2 : i32
    %mul3A_0 = arith.muli %arg1, %mul3A : i32
    %add3A = arith.addi %mul3A_0, %arg0 : i32
    %mul3A_1 = arith.constant 6400 : i32
    %mul3A_2 = arith.muli %add3A, %mul3A_1 : i32
    "tpu.region"() ({
      %run_scoped3A = tpu.sem_alloc : memref<!tpu.dma_semaphore, #tpu.memory_space<semaphore_mem>>
      %dma_start3A_82 = arith.constant 0 : i32
      %dma_start3A_83 = tpu.memref_slice %arg5[%dma_start3A_82] : memref<6400xi32, #tpu.memory_space<vmem>> -> memref<1280xi32, #tpu.memory_space<vmem>>
      %dma_start3A_84 = tpu.memref_slice %arg3[%mul3A_2] : memref<204800xi32, #tpu.memory_space<hbm>> -> memref<1280xi32, #tpu.memory_space<hbm>>
      %dma_start3A_85 = arith.constant 0 : i32
      %dma_start3A_86 = tpu.memref_slice %arg5[%dma_start3A_85] : memref<6400xi32, #tpu.memory_space<vmem>> -> memref<1280xi32, #tpu.memory_space<vmem>>
      %dma_start3A_87 = tpu.memref_slice %arg3[%mul3A_2] : memref<204800xi32, #tpu.memory_space<hbm>> -> memref<1280xi32, #tpu.memory_space<hbm>>
      tpu.enqueue_dma source(%dma_start3A_87 : memref<1280xi32, #tpu.memory_space<hbm>>) target(%dma_start3A_86 : memref<1280xi32, #tpu.memory_space<vmem>>) target_semaphore(%run_scoped3A : memref<!tpu.dma_semaphore, #tpu.memory_space<semaphore_mem>>)
      %dma_wait3A_88 = arith.constant 0 : i32
      %dma_wait3A_89 = tpu.memref_slice %arg5[%dma_wait3A_88] : memref<6400xi32, #tpu.memory_space<vmem>> -> memref<1280xi32, #tpu.memory_space<vmem>>
      %dma_wait3A_90 = tpu.memref_slice %arg3[%mul3A_2] : memref<204800xi32, #tpu.memory_space<hbm>> -> memref<1280xi32, #tpu.memory_space<hbm>>
      %dma_wait3A_91 = arith.constant 0 : i32
      %dma_wait3A_92 = tpu.memref_slice %arg5[%dma_wait3A_91] : memref<6400xi32, #tpu.memory_space<vmem>> -> memref<1280xi32, #tpu.memory_space<vmem>>
      %dma_wait3A_93 = tpu.memref_slice %arg3[%mul3A_2] : memref<204800xi32, #tpu.memory_space<hbm>> -> memref<1280xi32, #tpu.memory_space<hbm>>
      tpu.wait_dma2 semaphore(%run_scoped3A : memref<!tpu.dma_semaphore, #tpu.memory_space<semaphore_mem>>) src(%dma_wait3A_93 : memref<1280xi32, #tpu.memory_space<hbm>>) dst(%dma_wait3A_92 : memref<1280xi32, #tpu.memory_space<vmem>>)
      tpu.yield
    }) : () -> ()
    %add3A_3 = arith.constant 1280 : i32
    %add3A_4 = arith.addi %mul3A_2, %add3A_3 : i32
    %dma_start3A = arith.constant 1280 : i32
    %dma_start3A_5 = tpu.memref_slice %arg5[%dma_start3A] : memref<6400xi32, #tpu.memory_space<vmem>> -> memref<1280xi32, #tpu.memory_space<vmem>>
    %dma_start3A_6 = tpu.memref_slice %arg3[%add3A_4] : memref<204800xi32, #tpu.memory_space<hbm>> -> memref<1280xi32, #tpu.memory_space<hbm>>
    %dma_start3A_7 = arith.constant 1280 : i32
    %dma_start3A_8 = tpu.memref_slice %arg5[%dma_start3A_7] : memref<6400xi32, #tpu.memory_space<vmem>> -> memref<1280xi32, #tpu.memory_space<vmem>>
    %dma_start3A_9 = tpu.memref_slice %arg3[%add3A_4] : memref<204800xi32, #tpu.memory_space<hbm>> -> memref<1280xi32, #tpu.memory_space<hbm>>
    tpu.enqueue_dma source(%dma_start3A_9 : memref<1280xi32, #tpu.memory_space<hbm>>) target(%dma_start3A_8 : memref<1280xi32, #tpu.memory_space<vmem>>) target_semaphore(%arg21 : memref<!tpu.dma_semaphore, #tpu.memory_space<semaphore_mem>>)
    %add3A_10 = arith.constant 2560 : i32
    %add3A_11 = arith.addi %mul3A_2, %add3A_10 : i32
    %dma_start3A_12 = arith.constant 2560 : i32
    %dma_start3A_13 = tpu.memref_slice %arg5[%dma_start3A_12] : memref<6400xi32, #tpu.memory_space<vmem>> -> memref<1280xi32, #tpu.memory_space<vmem>>
    %dma_start3A_14 = tpu.memref_slice %arg3[%add3A_11] : memref<204800xi32, #tpu.memory_space<hbm>> -> memref<1280xi32, #tpu.memory_space<hbm>>
    %dma_start3A_15 = arith.constant 2560 : i32
    %dma_start3A_16 = tpu.memref_slice %arg5[%dma_start3A_15] : memref<6400xi32, #tpu.memory_space<vmem>> -> memref<1280xi32, #tpu.memory_space<vmem>>
    %dma_start3A_17 = tpu.memref_slice %arg3[%add3A_11] : memref<204800xi32, #tpu.memory_space<hbm>> -> memref<1280xi32, #tpu.memory_space<hbm>>
    tpu.enqueue_dma source(%dma_start3A_17 : memref<1280xi32, #tpu.memory_space<hbm>>) target(%dma_start3A_16 : memref<1280xi32, #tpu.memory_space<vmem>>) target_semaphore(%arg21 : memref<!tpu.dma_semaphore, #tpu.memory_space<semaphore_mem>>)
    %add3A_18 = arith.constant 3840 : i32
    %add3A_19 = arith.addi %mul3A_2, %add3A_18 : i32
    %dma_start3A_20 = arith.constant 3840 : i32
    %dma_start3A_21 = tpu.memref_slice %arg5[%dma_start3A_20] : memref<6400xi32, #tpu.memory_space<vmem>> -> memref<1280xi32, #tpu.memory_space<vmem>>
    %dma_start3A_22 = tpu.memref_slice %arg3[%add3A_19] : memref<204800xi32, #tpu.memory_space<hbm>> -> memref<1280xi32, #tpu.memory_space<hbm>>
    %dma_start3A_23 = arith.constant 3840 : i32
    %dma_start3A_24 = tpu.memref_slice %arg5[%dma_start3A_23] : memref<6400xi32, #tpu.memory_space<vmem>> -> memref<1280xi32, #tpu.memory_space<vmem>>
    %dma_start3A_25 = tpu.memref_slice %arg3[%add3A_19] : memref<204800xi32, #tpu.memory_space<hbm>> -> memref<1280xi32, #tpu.memory_space<hbm>>
    tpu.enqueue_dma source(%dma_start3A_25 : memref<1280xi32, #tpu.memory_space<hbm>>) target(%dma_start3A_24 : memref<1280xi32, #tpu.memory_space<vmem>>) target_semaphore(%arg21 : memref<!tpu.dma_semaphore, #tpu.memory_space<semaphore_mem>>)
    %add3A_26 = arith.constant 5120 : i32
    %add3A_27 = arith.addi %mul3A_2, %add3A_26 : i32
    %dma_start3A_28 = arith.constant 5120 : i32
    %dma_start3A_29 = tpu.memref_slice %arg5[%dma_start3A_28] : memref<6400xi32, #tpu.memory_space<vmem>> -> memref<1280xi32, #tpu.memory_space<vmem>>
    %dma_start3A_30 = tpu.memref_slice %arg3[%add3A_27] : memref<204800xi32, #tpu.memory_space<hbm>> -> memref<1280xi32, #tpu.memory_space<hbm>>
    %dma_start3A_31 = arith.constant 5120 : i32
    %dma_start3A_32 = tpu.memref_slice %arg5[%dma_start3A_31] : memref<6400xi32, #tpu.memory_space<vmem>> -> memref<1280xi32, #tpu.memory_space<vmem>>
    %dma_start3A_33 = tpu.memref_slice %arg3[%add3A_27] : memref<204800xi32, #tpu.memory_space<hbm>> -> memref<1280xi32, #tpu.memory_space<hbm>>
    tpu.enqueue_dma source(%dma_start3A_33 : memref<1280xi32, #tpu.memory_space<hbm>>) target(%dma_start3A_32 : memref<1280xi32, #tpu.memory_space<vmem>>) target_semaphore(%arg21 : memref<!tpu.dma_semaphore, #tpu.memory_space<semaphore_mem>>)
    %dma_start3A_34 = arith.constant 0 : i32
    %dma_start3A_35 = tpu.memref_slice %arg5[%dma_start3A_34] : memref<6400xi32, #tpu.memory_space<vmem>> -> memref<128xi32, #tpu.memory_space<vmem>>
    %dma_start3A_36 = arith.constant 0 : i32
    %dma_start3A_37 = arith.constant 0 : i32
    %dma_start3A_38 = tpu.memref_slice %arg2[%dma_start3A_36, %dma_start3A_37] : memref<100000x128xf32, #tpu.memory_space<hbm>> -> memref<100000x128xf32, #tpu.memory_space<hbm>>
    tpu.enqueue_indirect_dma source(%dma_start3A_38 : memref<100000x128xf32, #tpu.memory_space<hbm>>) target(%arg6 : memref<128x128xf32, #tpu.memory_space<vmem>>) offsets(%dma_start3A_35 : memref<128xi32, #tpu.memory_space<vmem>>) semaphore(%arg11 : memref<!tpu.dma_semaphore, #tpu.memory_space<semaphore_mem>>)
    %dma_start3A_39 = arith.constant 128 : i32
    %dma_start3A_40 = tpu.memref_slice %arg5[%dma_start3A_39] : memref<6400xi32, #tpu.memory_space<vmem>> -> memref<128xi32, #tpu.memory_space<vmem>>
    %dma_start3A_41 = arith.constant 0 : i32
    %dma_start3A_42 = arith.constant 0 : i32
    %dma_start3A_43 = tpu.memref_slice %arg2[%dma_start3A_41, %dma_start3A_42] : memref<100000x128xf32, #tpu.memory_space<hbm>> -> memref<100000x128xf32, #tpu.memory_space<hbm>>
    tpu.enqueue_indirect_dma source(%dma_start3A_43 : memref<100000x128xf32, #tpu.memory_space<hbm>>) target(%arg7 : memref<128x128xf32, #tpu.memory_space<vmem>>) offsets(%dma_start3A_40 : memref<128xi32, #tpu.memory_space<vmem>>) semaphore(%arg12 : memref<!tpu.dma_semaphore, #tpu.memory_space<semaphore_mem>>)
    %dma_start3A_44 = arith.constant 256 : i32
    %dma_start3A_45 = tpu.memref_slice %arg5[%dma_start3A_44] : memref<6400xi32, #tpu.memory_space<vmem>> -> memref<128xi32, #tpu.memory_space<vmem>>
    %dma_start3A_46 = arith.constant 0 : i32
    %dma_start3A_47 = arith.constant 0 : i32
    %dma_start3A_48 = tpu.memref_slice %arg2[%dma_start3A_46, %dma_start3A_47] : memref<100000x128xf32, #tpu.memory_space<hbm>> -> memref<100000x128xf32, #tpu.memory_space<hbm>>
    tpu.enqueue_indirect_dma source(%dma_start3A_48 : memref<100000x128xf32, #tpu.memory_space<hbm>>) target(%arg8 : memref<128x128xf32, #tpu.memory_space<vmem>>) offsets(%dma_start3A_45 : memref<128xi32, #tpu.memory_space<vmem>>) semaphore(%arg13 : memref<!tpu.dma_semaphore, #tpu.memory_space<semaphore_mem>>)
    %scan3A = arith.constant 0 : i32
    %scan3A_49 = arith.constant 10 : i32
    %scan3A_50 = arith.addi %scan3A, %scan3A_49 : i32
    %scan3A_51 = arith.constant 1 : i32
    scf.for %scan3A_82 = %scan3A to %scan3A_50 step %scan3A_51  : i32 {
      %mul3A_83 = arith.constant 5 : i32
      %mul3A_84 = arith.muli %scan3A_82, %mul3A_83 : i32
      %eq3A = arith.constant 5 : i32
      %eq3A_85 = arith.cmpi eq, %mul3A_84, %eq3A : i32
      %convert_element_type3A = arith.extui %eq3A_85 : i1 to i32
      %cond3A = arith.constant 0 : i32
      %cond3A_86 = arith.cmpi ne, %convert_element_type3A, %cond3A : i32
      scf.if %cond3A_86 {
        %dma_wait3A_191 = arith.constant 0 : i32
        %dma_wait3A_192 = tpu.memref_slice %arg5[%dma_wait3A_191] : memref<6400xi32, #tpu.memory_space<vmem>> -> memref<1280xi32, #tpu.memory_space<vmem>>
        %dma_wait3A_193 = arith.constant 0 : i32
        %dma_wait3A_194 = tpu.memref_slice %arg3[%dma_wait3A_193] : memref<204800xi32, #tpu.memory_space<hbm>> -> memref<1280xi32, #tpu.memory_space<hbm>>
        %dma_wait3A_195 = arith.constant 0 : i32
        %dma_wait3A_196 = tpu.memref_slice %arg5[%dma_wait3A_195] : memref<6400xi32, #tpu.memory_space<vmem>> -> memref<1280xi32, #tpu.memory_space<vmem>>
        %dma_wait3A_197 = arith.constant 0 : i32
        %dma_wait3A_198 = tpu.memref_slice %arg3[%dma_wait3A_197] : memref<204800xi32, #tpu.memory_space<hbm>> -> memref<1280xi32, #tpu.memory_space<hbm>>
        tpu.wait_dma2 semaphore(%arg21 : memref<!tpu.dma_semaphore, #tpu.memory_space<semaphore_mem>>) src(%dma_wait3A_198 : memref<1280xi32, #tpu.memory_space<hbm>>) dst(%dma_wait3A_196 : memref<1280xi32, #tpu.memory_space<vmem>>)
        %dma_wait3A_199 = arith.constant 0 : i32
        %dma_wait3A_200 = tpu.memref_slice %arg5[%dma_wait3A_199] : memref<6400xi32, #tpu.memory_space<vmem>> -> memref<1280xi32, #tpu.memory_space<vmem>>
        %dma_wait3A_201 = arith.constant 0 : i32
        %dma_wait3A_202 = tpu.memref_slice %arg3[%dma_wait3A_201] : memref<204800xi32, #tpu.memory_space<hbm>> -> memref<1280xi32, #tpu.memory_space<hbm>>
        %dma_wait3A_203 = arith.constant 0 : i32
        %dma_wait3A_204 = tpu.memref_slice %arg5[%dma_wait3A_203] : memref<6400xi32, #tpu.memory_space<vmem>> -> memref<1280xi32, #tpu.memory_space<vmem>>
        %dma_wait3A_205 = arith.constant 0 : i32
        %dma_wait3A_206 = tpu.memref_slice %arg3[%dma_wait3A_205] : memref<204800xi32, #tpu.memory_space<hbm>> -> memref<1280xi32, #tpu.memory_space<hbm>>
        tpu.wait_dma2 semaphore(%arg21 : memref<!tpu.dma_semaphore, #tpu.memory_space<semaphore_mem>>) src(%dma_wait3A_206 : memref<1280xi32, #tpu.memory_space<hbm>>) dst(%dma_wait3A_204 : memref<1280xi32, #tpu.memory_space<vmem>>)
        %dma_wait3A_207 = arith.constant 0 : i32
        %dma_wait3A_208 = tpu.memref_slice %arg5[%dma_wait3A_207] : memref<6400xi32, #tpu.memory_space<vmem>> -> memref<1280xi32, #tpu.memory_space<vmem>>
        %dma_wait3A_209 = arith.constant 0 : i32
        %dma_wait3A_210 = tpu.memref_slice %arg3[%dma_wait3A_209] : memref<204800xi32, #tpu.memory_space<hbm>> -> memref<1280xi32, #tpu.memory_space<hbm>>
        %dma_wait3A_211 = arith.constant 0 : i32
        %dma_wait3A_212 = tpu.memref_slice %arg5[%dma_wait3A_211] : memref<6400xi32, #tpu.memory_space<vmem>> -> memref<1280xi32, #tpu.memory_space<vmem>>
        %dma_wait3A_213 = arith.constant 0 : i32
        %dma_wait3A_214 = tpu.memref_slice %arg3[%dma_wait3A_213] : memref<204800xi32, #tpu.memory_space<hbm>> -> memref<1280xi32, #tpu.memory_space<hbm>>
        tpu.wait_dma2 semaphore(%arg21 : memref<!tpu.dma_semaphore, #tpu.memory_space<semaphore_mem>>) src(%dma_wait3A_214 : memref<1280xi32, #tpu.memory_space<hbm>>) dst(%dma_wait3A_212 : memref<1280xi32, #tpu.memory_space<vmem>>)
        %dma_wait3A_215 = arith.constant 0 : i32
        %dma_wait3A_216 = tpu.memref_slice %arg5[%dma_wait3A_215] : memref<6400xi32, #tpu.memory_space<vmem>> -> memref<1280xi32, #tpu.memory_space<vmem>>
        %dma_wait3A_217 = arith.constant 0 : i32
        %dma_wait3A_218 = tpu.memref_slice %arg3[%dma_wait3A_217] : memref<204800xi32, #tpu.memory_space<hbm>> -> memref<1280xi32, #tpu.memory_space<hbm>>
        %dma_wait3A_219 = arith.constant 0 : i32
        %dma_wait3A_220 = tpu.memref_slice %arg5[%dma_wait3A_219] : memref<6400xi32, #tpu.memory_space<vmem>> -> memref<1280xi32, #tpu.memory_space<vmem>>
        %dma_wait3A_221 = arith.constant 0 : i32
        %dma_wait3A_222 = tpu.memref_slice %arg3[%dma_wait3A_221] : memref<204800xi32, #tpu.memory_space<hbm>> -> memref<1280xi32, #tpu.memory_space<hbm>>
        tpu.wait_dma2 semaphore(%arg21 : memref<!tpu.dma_semaphore, #tpu.memory_space<semaphore_mem>>) src(%dma_wait3A_222 : memref<1280xi32, #tpu.memory_space<hbm>>) dst(%dma_wait3A_220 : memref<1280xi32, #tpu.memory_space<vmem>>)
      } else {
      }
      %add3A_87 = arith.constant 0 : i32
      %add3A_88 = arith.addi %mul3A_84, %add3A_87 : i32
      %add3A_89 = arith.constant 3 : i32
      %add3A_90 = arith.addi %add3A_88, %add3A_89 : i32
      %lt3A = arith.constant 50 : i32
      %lt3A_91 = arith.cmpi slt, %add3A_90, %lt3A : i32
      %convert_element_type3A_92 = arith.extui %lt3A_91 : i1 to i32
      %cond3A_93 = arith.constant 0 : i32
      %cond3A_94 = arith.cmpi ne, %convert_element_type3A_92, %cond3A_93 : i32
      scf.if %cond3A_94 {
        %add3A_191 = arith.constant 3 : i32
        %add3A_192 = arith.addi %add3A_88, %add3A_191 : i32
        %ge3A = arith.constant 5 : i32
        %ge3A_193 = arith.cmpi sge, %add3A_192, %ge3A : i32
        %convert_element_type3A_194 = arith.extui %ge3A_193 : i1 to i32
        %cond3A_195 = arith.constant 0 : i32
        %cond3A_196 = arith.cmpi ne, %convert_element_type3A_194, %cond3A_195 : i32
        scf.if %cond3A_196 {
          %dma_wait3A_205 = arith.constant 0 : i32
          %dma_wait3A_206 = arith.constant 0 : i32
          %dma_wait3A_207 = tpu.memref_slice %arg4[%dma_wait3A_205, %dma_wait3A_206] : memref<204800x128xf32, #tpu.memory_space<hbm>> -> memref<128x128xf32, #tpu.memory_space<hbm>>
          %dma_wait3A_208 = arith.constant 0 : i32
          %dma_wait3A_209 = arith.constant 0 : i32
          %dma_wait3A_210 = tpu.memref_slice %arg4[%dma_wait3A_208, %dma_wait3A_209] : memref<204800x128xf32, #tpu.memory_space<hbm>> -> memref<128x128xf32, #tpu.memory_space<hbm>>
          tpu.wait_dma2 semaphore(%arg19 : memref<!tpu.dma_semaphore, #tpu.memory_space<semaphore_mem>>) src(%arg9 : memref<128x128xf32, #tpu.memory_space<vmem>>) dst(%dma_wait3A_210 : memref<128x128xf32, #tpu.memory_space<hbm>>)
        } else {
        }
        %add3A_197 = arith.constant 3 : i32
        %add3A_198 = arith.addi %add3A_88, %add3A_197 : i32
        %mul3A_199 = arith.constant 128 : i32
        %mul3A_200 = arith.muli %add3A_198, %mul3A_199 : i32
        %dma_start3A_201 = tpu.memref_slice %arg5[%mul3A_200] : memref<6400xi32, #tpu.memory_space<vmem>> -> memref<128xi32, #tpu.memory_space<vmem>>
        %dma_start3A_202 = arith.constant 0 : i32
        %dma_start3A_203 = arith.constant 0 : i32
        %dma_start3A_204 = tpu.memref_slice %arg2[%dma_start3A_202, %dma_start3A_203] : memref<100000x128xf32, #tpu.memory_space<hbm>> -> memref<100000x128xf32, #tpu.memory_space<hbm>>
        tpu.enqueue_indirect_dma source(%dma_start3A_204 : memref<100000x128xf32, #tpu.memory_space<hbm>>) target(%arg9 : memref<128x128xf32, #tpu.memory_space<vmem>>) offsets(%dma_start3A_201 : memref<128xi32, #tpu.memory_space<vmem>>) semaphore(%arg14 : memref<!tpu.dma_semaphore, #tpu.memory_space<semaphore_mem>>)
      } else {
      }
      %dma_wait3A_95 = arith.constant 0 : i32
      %dma_wait3A_96 = tpu.memref_slice %arg5[%dma_wait3A_95] : memref<6400xi32, #tpu.memory_space<vmem>> -> memref<128xi32, #tpu.memory_space<vmem>>
      %dma_wait3A_97 = arith.constant 0 : i32
      %dma_wait3A_98 = arith.constant 0 : i32
      %dma_wait3A_99 = tpu.memref_slice %arg2[%dma_wait3A_97, %dma_wait3A_98] : memref<100000x128xf32, #tpu.memory_space<hbm>> -> memref<100000x128xf32, #tpu.memory_space<hbm>>
      tpu.wait_indirect_dma semaphore(%arg11 : memref<!tpu.dma_semaphore, #tpu.memory_space<semaphore_mem>>) src(%dma_wait3A_99 : memref<100000x128xf32, #tpu.memory_space<hbm>>) dst(%arg6 : memref<128x128xf32, #tpu.memory_space<vmem>>)
      %mul3A_100 = arith.constant 128 : i32
      %mul3A_101 = arith.muli %add3A_88, %mul3A_100 : i32
      %add3A_102 = arith.addi %mul3A_2, %mul3A_101 : i32
      %dma_start3A_103 = arith.constant 0 : i32
      %dma_start3A_104 = tpu.memref_slice %arg4[%add3A_102, %dma_start3A_103] : memref<204800x128xf32, #tpu.memory_space<hbm>> -> memref<128x128xf32, #tpu.memory_space<hbm>>
      %dma_start3A_105 = arith.constant 0 : i32
      %dma_start3A_106 = tpu.memref_slice %arg4[%add3A_102, %dma_start3A_105] : memref<204800x128xf32, #tpu.memory_space<hbm>> -> memref<128x128xf32, #tpu.memory_space<hbm>>
      tpu.enqueue_dma source(%arg6 : memref<128x128xf32, #tpu.memory_space<vmem>>) target(%dma_start3A_106 : memref<128x128xf32, #tpu.memory_space<hbm>>) target_semaphore(%arg16 : memref<!tpu.dma_semaphore, #tpu.memory_space<semaphore_mem>>)
      %add3A_107 = arith.constant 1 : i32
      %add3A_108 = arith.addi %mul3A_84, %add3A_107 : i32
      %add3A_109 = arith.constant 3 : i32
      %add3A_110 = arith.addi %add3A_108, %add3A_109 : i32
      %lt3A_111 = arith.constant 50 : i32
      %lt3A_112 = arith.cmpi slt, %add3A_110, %lt3A_111 : i32
      %convert_element_type3A_113 = arith.extui %lt3A_112 : i1 to i32
      %cond3A_114 = arith.constant 0 : i32
      %cond3A_115 = arith.cmpi ne, %convert_element_type3A_113, %cond3A_114 : i32
      scf.if %cond3A_115 {
        %add3A_191 = arith.constant 3 : i32
        %add3A_192 = arith.addi %add3A_108, %add3A_191 : i32
        %ge3A = arith.constant 5 : i32
        %ge3A_193 = arith.cmpi sge, %add3A_192, %ge3A : i32
        %convert_element_type3A_194 = arith.extui %ge3A_193 : i1 to i32
        %cond3A_195 = arith.constant 0 : i32
        %cond3A_196 = arith.cmpi ne, %convert_element_type3A_194, %cond3A_195 : i32
        scf.if %cond3A_196 {
          %dma_wait3A_205 = arith.constant 0 : i32
          %dma_wait3A_206 = arith.constant 0 : i32
          %dma_wait3A_207 = tpu.memref_slice %arg4[%dma_wait3A_205, %dma_wait3A_206] : memref<204800x128xf32, #tpu.memory_space<hbm>> -> memref<128x128xf32, #tpu.memory_space<hbm>>
          %dma_wait3A_208 = arith.constant 0 : i32
          %dma_wait3A_209 = arith.constant 0 : i32
          %dma_wait3A_210 = tpu.memref_slice %arg4[%dma_wait3A_208, %dma_wait3A_209] : memref<204800x128xf32, #tpu.memory_space<hbm>> -> memref<128x128xf32, #tpu.memory_space<hbm>>
          tpu.wait_dma2 semaphore(%arg20 : memref<!tpu.dma_semaphore, #tpu.memory_space<semaphore_mem>>) src(%arg10 : memref<128x128xf32, #tpu.memory_space<vmem>>) dst(%dma_wait3A_210 : memref<128x128xf32, #tpu.memory_space<hbm>>)
        } else {
        }
        %add3A_197 = arith.constant 3 : i32
        %add3A_198 = arith.addi %add3A_108, %add3A_197 : i32
        %mul3A_199 = arith.constant 128 : i32
        %mul3A_200 = arith.muli %add3A_198, %mul3A_199 : i32
        %dma_start3A_201 = tpu.memref_slice %arg5[%mul3A_200] : memref<6400xi32, #tpu.memory_space<vmem>> -> memref<128xi32, #tpu.memory_space<vmem>>
        %dma_start3A_202 = arith.constant 0 : i32
        %dma_start3A_203 = arith.constant 0 : i32
        %dma_start3A_204 = tpu.memref_slice %arg2[%dma_start3A_202, %dma_start3A_203] : memref<100000x128xf32, #tpu.memory_space<hbm>> -> memref<100000x128xf32, #tpu.memory_space<hbm>>
        tpu.enqueue_indirect_dma source(%dma_start3A_204 : memref<100000x128xf32, #tpu.memory_space<hbm>>) target(%arg10 : memref<128x128xf32, #tpu.memory_space<vmem>>) offsets(%dma_start3A_201 : memref<128xi32, #tpu.memory_space<vmem>>) semaphore(%arg15 : memref<!tpu.dma_semaphore, #tpu.memory_space<semaphore_mem>>)
      } else {
      }
      %dma_wait3A_116 = arith.constant 0 : i32
      %dma_wait3A_117 = tpu.memref_slice %arg5[%dma_wait3A_116] : memref<6400xi32, #tpu.memory_space<vmem>> -> memref<128xi32, #tpu.memory_space<vmem>>
      %dma_wait3A_118 = arith.constant 0 : i32
      %dma_wait3A_119 = arith.constant 0 : i32
      %dma_wait3A_120 = tpu.memref_slice %arg2[%dma_wait3A_118, %dma_wait3A_119] : memref<100000x128xf32, #tpu.memory_space<hbm>> -> memref<100000x128xf32, #tpu.memory_space<hbm>>
      tpu.wait_indirect_dma semaphore(%arg12 : memref<!tpu.dma_semaphore, #tpu.memory_space<semaphore_mem>>) src(%dma_wait3A_120 : memref<100000x128xf32, #tpu.memory_space<hbm>>) dst(%arg7 : memref<128x128xf32, #tpu.memory_space<vmem>>)
      %mul3A_121 = arith.constant 128 : i32
      %mul3A_122 = arith.muli %add3A_108, %mul3A_121 : i32
      %add3A_123 = arith.addi %mul3A_2, %mul3A_122 : i32
      %dma_start3A_124 = arith.constant 0 : i32
      %dma_start3A_125 = tpu.memref_slice %arg4[%add3A_123, %dma_start3A_124] : memref<204800x128xf32, #tpu.memory_space<hbm>> -> memref<128x128xf32, #tpu.memory_space<hbm>>
      %dma_start3A_126 = arith.constant 0 : i32
      %dma_start3A_127 = tpu.memref_slice %arg4[%add3A_123, %dma_start3A_126] : memref<204800x128xf32, #tpu.memory_space<hbm>> -> memref<128x128xf32, #tpu.memory_space<hbm>>
      tpu.enqueue_dma source(%arg7 : memref<128x128xf32, #tpu.memory_space<vmem>>) target(%dma_start3A_127 : memref<128x128xf32, #tpu.memory_space<hbm>>) target_semaphore(%arg17 : memref<!tpu.dma_semaphore, #tpu.memory_space<semaphore_mem>>)
      %add3A_128 = arith.constant 2 : i32
      %add3A_129 = arith.addi %mul3A_84, %add3A_128 : i32
      %add3A_130 = arith.constant 3 : i32
      %add3A_131 = arith.addi %add3A_129, %add3A_130 : i32
      %lt3A_132 = arith.constant 50 : i32
      %lt3A_133 = arith.cmpi slt, %add3A_131, %lt3A_132 : i32
      %convert_element_type3A_134 = arith.extui %lt3A_133 : i1 to i32
      %cond3A_135 = arith.constant 0 : i32
      %cond3A_136 = arith.cmpi ne, %convert_element_type3A_134, %cond3A_135 : i32
      scf.if %cond3A_136 {
        %add3A_191 = arith.constant 3 : i32
        %add3A_192 = arith.addi %add3A_129, %add3A_191 : i32
        %ge3A = arith.constant 5 : i32
        %ge3A_193 = arith.cmpi sge, %add3A_192, %ge3A : i32
        %convert_element_type3A_194 = arith.extui %ge3A_193 : i1 to i32
        %cond3A_195 = arith.constant 0 : i32
        %cond3A_196 = arith.cmpi ne, %convert_element_type3A_194, %cond3A_195 : i32
        scf.if %cond3A_196 {
          %dma_wait3A_205 = arith.constant 0 : i32
          %dma_wait3A_206 = arith.constant 0 : i32
          %dma_wait3A_207 = tpu.memref_slice %arg4[%dma_wait3A_205, %dma_wait3A_206] : memref<204800x128xf32, #tpu.memory_space<hbm>> -> memref<128x128xf32, #tpu.memory_space<hbm>>
          %dma_wait3A_208 = arith.constant 0 : i32
          %dma_wait3A_209 = arith.constant 0 : i32
          %dma_wait3A_210 = tpu.memref_slice %arg4[%dma_wait3A_208, %dma_wait3A_209] : memref<204800x128xf32, #tpu.memory_space<hbm>> -> memref<128x128xf32, #tpu.memory_space<hbm>>
          tpu.wait_dma2 semaphore(%arg16 : memref<!tpu.dma_semaphore, #tpu.memory_space<semaphore_mem>>) src(%arg6 : memref<128x128xf32, #tpu.memory_space<vmem>>) dst(%dma_wait3A_210 : memref<128x128xf32, #tpu.memory_space<hbm>>)
        } else {
        }
        %add3A_197 = arith.constant 3 : i32
        %add3A_198 = arith.addi %add3A_129, %add3A_197 : i32
        %mul3A_199 = arith.constant 128 : i32
        %mul3A_200 = arith.muli %add3A_198, %mul3A_199 : i32
        %dma_start3A_201 = tpu.memref_slice %arg5[%mul3A_200] : memref<6400xi32, #tpu.memory_space<vmem>> -> memref<128xi32, #tpu.memory_space<vmem>>
        %dma_start3A_202 = arith.constant 0 : i32
        %dma_start3A_203 = arith.constant 0 : i32
        %dma_start3A_204 = tpu.memref_slice %arg2[%dma_start3A_202, %dma_start3A_203] : memref<100000x128xf32, #tpu.memory_space<hbm>> -> memref<100000x128xf32, #tpu.memory_space<hbm>>
        tpu.enqueue_indirect_dma source(%dma_start3A_204 : memref<100000x128xf32, #tpu.memory_space<hbm>>) target(%arg6 : memref<128x128xf32, #tpu.memory_space<vmem>>) offsets(%dma_start3A_201 : memref<128xi32, #tpu.memory_space<vmem>>) semaphore(%arg11 : memref<!tpu.dma_semaphore, #tpu.memory_space<semaphore_mem>>)
      } else {
      }
      %dma_wait3A_137 = arith.constant 0 : i32
      %dma_wait3A_138 = tpu.memref_slice %arg5[%dma_wait3A_137] : memref<6400xi32, #tpu.memory_space<vmem>> -> memref<128xi32, #tpu.memory_space<vmem>>
      %dma_wait3A_139 = arith.constant 0 : i32
      %dma_wait3A_140 = arith.constant 0 : i32
      %dma_wait3A_141 = tpu.memref_slice %arg2[%dma_wait3A_139, %dma_wait3A_140] : memref<100000x128xf32, #tpu.memory_space<hbm>> -> memref<100000x128xf32, #tpu.memory_space<hbm>>
      tpu.wait_indirect_dma semaphore(%arg13 : memref<!tpu.dma_semaphore, #tpu.memory_space<semaphore_mem>>) src(%dma_wait3A_141 : memref<100000x128xf32, #tpu.memory_space<hbm>>) dst(%arg8 : memref<128x128xf32, #tpu.memory_space<vmem>>)
      %mul3A_142 = arith.constant 128 : i32
      %mul3A_143 = arith.muli %add3A_129, %mul3A_142 : i32
      %add3A_144 = arith.addi %mul3A_2, %mul3A_143 : i32
      %dma_start3A_145 = arith.constant 0 : i32
      %dma_start3A_146 = tpu.memref_slice %arg4[%add3A_144, %dma_start3A_145] : memref<204800x128xf32, #tpu.memory_space<hbm>> -> memref<128x128xf32, #tpu.memory_space<hbm>>
      %dma_start3A_147 = arith.constant 0 : i32
      %dma_start3A_148 = tpu.memref_slice %arg4[%add3A_144, %dma_start3A_147] : memref<204800x128xf32, #tpu.memory_space<hbm>> -> memref<128x128xf32, #tpu.memory_space<hbm>>
      tpu.enqueue_dma source(%arg8 : memref<128x128xf32, #tpu.memory_space<vmem>>) target(%dma_start3A_148 : memref<128x128xf32, #tpu.memory_space<hbm>>) target_semaphore(%arg18 : memref<!tpu.dma_semaphore, #tpu.memory_space<semaphore_mem>>)
      %add3A_149 = arith.constant 3 : i32
      %add3A_150 = arith.addi %mul3A_84, %add3A_149 : i32
      %add3A_151 = arith.constant 3 : i32
      %add3A_152 = arith.addi %add3A_150, %add3A_151 : i32
      %lt3A_153 = arith.constant 50 : i32
      %lt3A_154 = arith.cmpi slt, %add3A_152, %lt3A_153 : i32
      %convert_element_type3A_155 = arith.extui %lt3A_154 : i1 to i32
      %cond3A_156 = arith.constant 0 : i32
      %cond3A_157 = arith.cmpi ne, %convert_element_type3A_155, %cond3A_156 : i32
      scf.if %cond3A_157 {
        %add3A_191 = arith.constant 3 : i32
        %add3A_192 = arith.addi %add3A_150, %add3A_191 : i32
        %ge3A = arith.constant 5 : i32
        %ge3A_193 = arith.cmpi sge, %add3A_192, %ge3A : i32
        %convert_element_type3A_194 = arith.extui %ge3A_193 : i1 to i32
        %cond3A_195 = arith.constant 0 : i32
        %cond3A_196 = arith.cmpi ne, %convert_element_type3A_194, %cond3A_195 : i32
        scf.if %cond3A_196 {
          %dma_wait3A_205 = arith.constant 0 : i32
          %dma_wait3A_206 = arith.constant 0 : i32
          %dma_wait3A_207 = tpu.memref_slice %arg4[%dma_wait3A_205, %dma_wait3A_206] : memref<204800x128xf32, #tpu.memory_space<hbm>> -> memref<128x128xf32, #tpu.memory_space<hbm>>
          %dma_wait3A_208 = arith.constant 0 : i32
          %dma_wait3A_209 = arith.constant 0 : i32
          %dma_wait3A_210 = tpu.memref_slice %arg4[%dma_wait3A_208, %dma_wait3A_209] : memref<204800x128xf32, #tpu.memory_space<hbm>> -> memref<128x128xf32, #tpu.memory_space<hbm>>
          tpu.wait_dma2 semaphore(%arg17 : memref<!tpu.dma_semaphore, #tpu.memory_space<semaphore_mem>>) src(%arg7 : memref<128x128xf32, #tpu.memory_space<vmem>>) dst(%dma_wait3A_210 : memref<128x128xf32, #tpu.memory_space<hbm>>)
        } else {
        }
        %add3A_197 = arith.constant 3 : i32
        %add3A_198 = arith.addi %add3A_150, %add3A_197 : i32
        %mul3A_199 = arith.constant 128 : i32
        %mul3A_200 = arith.muli %add3A_198, %mul3A_199 : i32
        %dma_start3A_201 = tpu.memref_slice %arg5[%mul3A_200] : memref<6400xi32, #tpu.memory_space<vmem>> -> memref<128xi32, #tpu.memory_space<vmem>>
        %dma_start3A_202 = arith.constant 0 : i32
        %dma_start3A_203 = arith.constant 0 : i32
        %dma_start3A_204 = tpu.memref_slice %arg2[%dma_start3A_202, %dma_start3A_203] : memref<100000x128xf32, #tpu.memory_space<hbm>> -> memref<100000x128xf32, #tpu.memory_space<hbm>>
        tpu.enqueue_indirect_dma source(%dma_start3A_204 : memref<100000x128xf32, #tpu.memory_space<hbm>>) target(%arg7 : memref<128x128xf32, #tpu.memory_space<vmem>>) offsets(%dma_start3A_201 : memref<128xi32, #tpu.memory_space<vmem>>) semaphore(%arg12 : memref<!tpu.dma_semaphore, #tpu.memory_space<semaphore_mem>>)
      } else {
      }
      %dma_wait3A_158 = arith.constant 0 : i32
      %dma_wait3A_159 = tpu.memref_slice %arg5[%dma_wait3A_158] : memref<6400xi32, #tpu.memory_space<vmem>> -> memref<128xi32, #tpu.memory_space<vmem>>
      %dma_wait3A_160 = arith.constant 0 : i32
      %dma_wait3A_161 = arith.constant 0 : i32
      %dma_wait3A_162 = tpu.memref_slice %arg2[%dma_wait3A_160, %dma_wait3A_161] : memref<100000x128xf32, #tpu.memory_space<hbm>> -> memref<100000x128xf32, #tpu.memory_space<hbm>>
      tpu.wait_indirect_dma semaphore(%arg14 : memref<!tpu.dma_semaphore, #tpu.memory_space<semaphore_mem>>) src(%dma_wait3A_162 : memref<100000x128xf32, #tpu.memory_space<hbm>>) dst(%arg9 : memref<128x128xf32, #tpu.memory_space<vmem>>)
      %mul3A_163 = arith.constant 128 : i32
      %mul3A_164 = arith.muli %add3A_150, %mul3A_163 : i32
      %add3A_165 = arith.addi %mul3A_2, %mul3A_164 : i32
      %dma_start3A_166 = arith.constant 0 : i32
      %dma_start3A_167 = tpu.memref_slice %arg4[%add3A_165, %dma_start3A_166] : memref<204800x128xf32, #tpu.memory_space<hbm>> -> memref<128x128xf32, #tpu.memory_space<hbm>>
      %dma_start3A_168 = arith.constant 0 : i32
      %dma_start3A_169 = tpu.memref_slice %arg4[%add3A_165, %dma_start3A_168] : memref<204800x128xf32, #tpu.memory_space<hbm>> -> memref<128x128xf32, #tpu.memory_space<hbm>>
      tpu.enqueue_dma source(%arg9 : memref<128x128xf32, #tpu.memory_space<vmem>>) target(%dma_start3A_169 : memref<128x128xf32, #tpu.memory_space<hbm>>) target_semaphore(%arg19 : memref<!tpu.dma_semaphore, #tpu.memory_space<semaphore_mem>>)
      %add3A_170 = arith.constant 4 : i32
      %add3A_171 = arith.addi %mul3A_84, %add3A_170 : i32
      %add3A_172 = arith.constant 3 : i32
      %add3A_173 = arith.addi %add3A_171, %add3A_172 : i32
      %lt3A_174 = arith.constant 50 : i32
      %lt3A_175 = arith.cmpi slt, %add3A_173, %lt3A_174 : i32
      %convert_element_type3A_176 = arith.extui %lt3A_175 : i1 to i32
      %cond3A_177 = arith.constant 0 : i32
      %cond3A_178 = arith.cmpi ne, %convert_element_type3A_176, %cond3A_177 : i32
      scf.if %cond3A_178 {
        %add3A_191 = arith.constant 3 : i32
        %add3A_192 = arith.addi %add3A_171, %add3A_191 : i32
        %ge3A = arith.constant 5 : i32
        %ge3A_193 = arith.cmpi sge, %add3A_192, %ge3A : i32
        %convert_element_type3A_194 = arith.extui %ge3A_193 : i1 to i32
        %cond3A_195 = arith.constant 0 : i32
        %cond3A_196 = arith.cmpi ne, %convert_element_type3A_194, %cond3A_195 : i32
        scf.if %cond3A_196 {
          %dma_wait3A_205 = arith.constant 0 : i32
          %dma_wait3A_206 = arith.constant 0 : i32
          %dma_wait3A_207 = tpu.memref_slice %arg4[%dma_wait3A_205, %dma_wait3A_206] : memref<204800x128xf32, #tpu.memory_space<hbm>> -> memref<128x128xf32, #tpu.memory_space<hbm>>
          %dma_wait3A_208 = arith.constant 0 : i32
          %dma_wait3A_209 = arith.constant 0 : i32
          %dma_wait3A_210 = tpu.memref_slice %arg4[%dma_wait3A_208, %dma_wait3A_209] : memref<204800x128xf32, #tpu.memory_space<hbm>> -> memref<128x128xf32, #tpu.memory_space<hbm>>
          tpu.wait_dma2 semaphore(%arg18 : memref<!tpu.dma_semaphore, #tpu.memory_space<semaphore_mem>>) src(%arg8 : memref<128x128xf32, #tpu.memory_space<vmem>>) dst(%dma_wait3A_210 : memref<128x128xf32, #tpu.memory_space<hbm>>)
        } else {
        }
        %add3A_197 = arith.constant 3 : i32
        %add3A_198 = arith.addi %add3A_171, %add3A_197 : i32
        %mul3A_199 = arith.constant 128 : i32
        %mul3A_200 = arith.muli %add3A_198, %mul3A_199 : i32
        %dma_start3A_201 = tpu.memref_slice %arg5[%mul3A_200] : memref<6400xi32, #tpu.memory_space<vmem>> -> memref<128xi32, #tpu.memory_space<vmem>>
        %dma_start3A_202 = arith.constant 0 : i32
        %dma_start3A_203 = arith.constant 0 : i32
        %dma_start3A_204 = tpu.memref_slice %arg2[%dma_start3A_202, %dma_start3A_203] : memref<100000x128xf32, #tpu.memory_space<hbm>> -> memref<100000x128xf32, #tpu.memory_space<hbm>>
        tpu.enqueue_indirect_dma source(%dma_start3A_204 : memref<100000x128xf32, #tpu.memory_space<hbm>>) target(%arg8 : memref<128x128xf32, #tpu.memory_space<vmem>>) offsets(%dma_start3A_201 : memref<128xi32, #tpu.memory_space<vmem>>) semaphore(%arg13 : memref<!tpu.dma_semaphore, #tpu.memory_space<semaphore_mem>>)
      } else {
      }
      %dma_wait3A_179 = arith.constant 0 : i32
      %dma_wait3A_180 = tpu.memref_slice %arg5[%dma_wait3A_179] : memref<6400xi32, #tpu.memory_space<vmem>> -> memref<128xi32, #tpu.memory_space<vmem>>
      %dma_wait3A_181 = arith.constant 0 : i32
      %dma_wait3A_182 = arith.constant 0 : i32
      %dma_wait3A_183 = tpu.memref_slice %arg2[%dma_wait3A_181, %dma_wait3A_182] : memref<100000x128xf32, #tpu.memory_space<hbm>> -> memref<100000x128xf32, #tpu.memory_space<hbm>>
      tpu.wait_indirect_dma semaphore(%arg15 : memref<!tpu.dma_semaphore, #tpu.memory_space<semaphore_mem>>) src(%dma_wait3A_183 : memref<100000x128xf32, #tpu.memory_space<hbm>>) dst(%arg10 : memref<128x128xf32, #tpu.memory_space<vmem>>)
      %mul3A_184 = arith.constant 128 : i32
      %mul3A_185 = arith.muli %add3A_171, %mul3A_184 : i32
      %add3A_186 = arith.addi %mul3A_2, %mul3A_185 : i32
      %dma_start3A_187 = arith.constant 0 : i32
      %dma_start3A_188 = tpu.memref_slice %arg4[%add3A_186, %dma_start3A_187] : memref<204800x128xf32, #tpu.memory_space<hbm>> -> memref<128x128xf32, #tpu.memory_space<hbm>>
      %dma_start3A_189 = arith.constant 0 : i32
      %dma_start3A_190 = tpu.memref_slice %arg4[%add3A_186, %dma_start3A_189] : memref<204800x128xf32, #tpu.memory_space<hbm>> -> memref<128x128xf32, #tpu.memory_space<hbm>>
      tpu.enqueue_dma source(%arg10 : memref<128x128xf32, #tpu.memory_space<vmem>>) target(%dma_start3A_190 : memref<128x128xf32, #tpu.memory_space<hbm>>) target_semaphore(%arg20 : memref<!tpu.dma_semaphore, #tpu.memory_space<semaphore_mem>>)
    }
    %scan3A_52 = arith.constant 10 : i32
    %dma_wait3A = arith.constant 0 : i32
    %dma_wait3A_53 = arith.constant 0 : i32
    %dma_wait3A_54 = tpu.memref_slice %arg4[%dma_wait3A, %dma_wait3A_53] : memref<204800x128xf32, #tpu.memory_space<hbm>> -> memref<128x128xf32, #tpu.memory_space<hbm>>
    %dma_wait3A_55 = arith.constant 0 : i32
    %dma_wait3A_56 = arith.constant 0 : i32
    %dma_wait3A_57 = tpu.memref_slice %arg4[%dma_wait3A_55, %dma_wait3A_56] : memref<204800x128xf32, #tpu.memory_space<hbm>> -> memref<128x128xf32, #tpu.memory_space<hbm>>
    tpu.wait_dma2 semaphore(%arg16 : memref<!tpu.dma_semaphore, #tpu.memory_space<semaphore_mem>>) src(%arg6 : memref<128x128xf32, #tpu.memory_space<vmem>>) dst(%dma_wait3A_57 : memref<128x128xf32, #tpu.memory_space<hbm>>)
    %dma_wait3A_58 = arith.constant 0 : i32
    %dma_wait3A_59 = arith.constant 0 : i32
    %dma_wait3A_60 = tpu.memref_slice %arg4[%dma_wait3A_58, %dma_wait3A_59] : memref<204800x128xf32, #tpu.memory_space<hbm>> -> memref<128x128xf32, #tpu.memory_space<hbm>>
    %dma_wait3A_61 = arith.constant 0 : i32
    %dma_wait3A_62 = arith.constant 0 : i32
    %dma_wait3A_63 = tpu.memref_slice %arg4[%dma_wait3A_61, %dma_wait3A_62] : memref<204800x128xf32, #tpu.memory_space<hbm>> -> memref<128x128xf32, #tpu.memory_space<hbm>>
    tpu.wait_dma2 semaphore(%arg17 : memref<!tpu.dma_semaphore, #tpu.memory_space<semaphore_mem>>) src(%arg7 : memref<128x128xf32, #tpu.memory_space<vmem>>) dst(%dma_wait3A_63 : memref<128x128xf32, #tpu.memory_space<hbm>>)
    %dma_wait3A_64 = arith.constant 0 : i32
    %dma_wait3A_65 = arith.constant 0 : i32
    %dma_wait3A_66 = tpu.memref_slice %arg4[%dma_wait3A_64, %dma_wait3A_65] : memref<204800x128xf32, #tpu.memory_space<hbm>> -> memref<128x128xf32, #tpu.memory_space<hbm>>
    %dma_wait3A_67 = arith.constant 0 : i32
    %dma_wait3A_68 = arith.constant 0 : i32
    %dma_wait3A_69 = tpu.memref_slice %arg4[%dma_wait3A_67, %dma_wait3A_68] : memref<204800x128xf32, #tpu.memory_space<hbm>> -> memref<128x128xf32, #tpu.memory_space<hbm>>
    tpu.wait_dma2 semaphore(%arg18 : memref<!tpu.dma_semaphore, #tpu.memory_space<semaphore_mem>>) src(%arg8 : memref<128x128xf32, #tpu.memory_space<vmem>>) dst(%dma_wait3A_69 : memref<128x128xf32, #tpu.memory_space<hbm>>)
    %dma_wait3A_70 = arith.constant 0 : i32
    %dma_wait3A_71 = arith.constant 0 : i32
    %dma_wait3A_72 = tpu.memref_slice %arg4[%dma_wait3A_70, %dma_wait3A_71] : memref<204800x128xf32, #tpu.memory_space<hbm>> -> memref<128x128xf32, #tpu.memory_space<hbm>>
    %dma_wait3A_73 = arith.constant 0 : i32
    %dma_wait3A_74 = arith.constant 0 : i32
    %dma_wait3A_75 = tpu.memref_slice %arg4[%dma_wait3A_73, %dma_wait3A_74] : memref<204800x128xf32, #tpu.memory_space<hbm>> -> memref<128x128xf32, #tpu.memory_space<hbm>>
    tpu.wait_dma2 semaphore(%arg19 : memref<!tpu.dma_semaphore, #tpu.memory_space<semaphore_mem>>) src(%arg9 : memref<128x128xf32, #tpu.memory_space<vmem>>) dst(%dma_wait3A_75 : memref<128x128xf32, #tpu.memory_space<hbm>>)
    %dma_wait3A_76 = arith.constant 0 : i32
    %dma_wait3A_77 = arith.constant 0 : i32
    %dma_wait3A_78 = tpu.memref_slice %arg4[%dma_wait3A_76, %dma_wait3A_77] : memref<204800x128xf32, #tpu.memory_space<hbm>> -> memref<128x128xf32, #tpu.memory_space<hbm>>
    %dma_wait3A_79 = arith.constant 0 : i32
    %dma_wait3A_80 = arith.constant 0 : i32
    %dma_wait3A_81 = tpu.memref_slice %arg4[%dma_wait3A_79, %dma_wait3A_80] : memref<204800x128xf32, #tpu.memory_space<hbm>> -> memref<128x128xf32, #tpu.memory_space<hbm>>
    tpu.wait_dma2 semaphore(%arg20 : memref<!tpu.dma_semaphore, #tpu.memory_space<semaphore_mem>>) src(%arg10 : memref<128x128xf32, #tpu.memory_space<vmem>>) dst(%dma_wait3A_81 : memref<128x128xf32, #tpu.memory_space<hbm>>)
    return
  }
}

</mosaic_0001>

<sc_bundles>
// kernel: _run.3.cloned.1.call-start
scs
__scs_entry_jumppad:
0x0: {  	(pc) =	sbr.rel $0x88, $3  }
0x1: {  	(tag) =	ssettag $0x0;
	lr =	simm.s32 $0x1  }
0x2: {  	[smem:$0x3F9F] =	sst lr;
	_ =	strace $0xD0000000  }
0x3: {  	_ = 	snop  }
0x4: {  	_ = 	snop  }
0x5: {  	_ = 	snop  }
0x6: {  	_ = 	snop  }
0x7: {  	_ = 	snop  }
__scs_overlays_trampoline_lowered:
0x8: {  	[smem:$0x3FAE] =	sst s0  }
0x9: {  	[smem:$0x3FAF] =	sst s1  }
0xa: {  	[smem:$0x3FB0] =	sst s2  }
0xb: {  	[smem:$0x3FB1] =	sst s3  }
0xc: {  	[smem:$0x3FB2] =	sst s4  }
0xd: {  	[smem:$0x3FB3] =	sst s5  }
0xe: {  	[smem:$0x3FB4] =	sst s6  }
0xf: {  	[smem:$0x3FB5] =	sst s7  }
0x10: {  	[smem:$0x3FB6] =	sst s8  }
0x11: {  	[smem:$0x3FB7] =	sst s9;
	s0 =	simm.s32 @!p0 $0x0  }
0x12: {  	s1 =	sld [smem:$0x3F9D];
	s0 =	simm.s32 @p0 $0x1  }
0x13: {  	[smem:$0x3FB8] =	sst s0;
	s0 =	simm.s32 @!p1 $0x0  }
0x14: {  	s2 =	sld [smem:$0x3F9C];
	s0 =	simm.s32 @p1 $0x1  }
0x15: {  	[smem:$0x3FB9] =	sst s0;
	s0 =	simm.s32 @!p2 $0x0  }
0x16: {  	s3 =	sld [smem:$0x3FDB];
	s0 =	simm.s32 @p2 $0x1  }
0x17: {  	s4 =	simm.s32 $0x1BF5;
	[smem:$0x3FBB] =	sst s0  }
0x18: {  	s0 =	sld [smem:$0x3F9E];
	_ =	swait.ge [sflag:s4], $0x0  }
0x19: {  	s7 =	sld [smem:$0x3F9F]  }
0x1a: {  	s8 =	sadd.s32 $0xFFFFE003, lr  }
0x1b: {  	s9 =	sadd.s32 $0xFFFFFEF7, lr;
	s5 =	simm.s32 $0xFFFFFFFF;
	p2 =	slt.u32 s8, $0xFFFFF086  }
0x1c: {  	p1 =	slt.u32 s9, $0xF7A;
	s5 =	simm.s32 @!p2 $0x0  }
0x1d: {  	s5 =	simm.s32 @p1 $0x1;
	p0 =	seq.s32 s7, s2  }
0x1e: {  	s7 =	smul.u32 @!p0 $0xF7A, s2;
	p2 =	seq.s32 @!p0 s5, $0x0  }
0x1f: {  	s9 =	smul.u32 $0xF7A, s1;
	s8 =	simm.s32 @!p0 $0x1BF5;
	p2 =	por !p2, p0  }
0x20: {  	[sflag:s8] =	ssyncset.s32 @!p0 $0xFFFFF086;
	s6 =	sadd.s32 @!p0 s3, s7;
	s7 =	simm.s32 @!p0 $0x108  }
0x21: {  	s3 =	sadd.s32 s3, s9;
	s6 =	sadd.s32 @!p0 $0x88, s6;
	s7 =	simm.s32 @p2 $0x1082  }
0x22: {  	[simem:s7], [sflag:s8] =	dma.local @!p0 [hbm:s6], $0xF7A  }
0x23: {  	s9 =	sor.u32 $0xD0000000, s2;
	s6 =	simm.s32 $0x108;
	_ =	swait.ge @!p0 [sflag:s8], $0x0  }
0x24: {  	s3 =	sadd.s32 $0x88, s3;
	s6 =	simm.s32 @!p1 $0x1082;
	[sflag:s4] =	ssyncset.s32 $0xFFFFF086  }
0x25: {  	[simem:s6], [sflag:s4] =	dma.local [hbm:s3], $0xF7A  }
0x26: {  	[smem:$0x3F9F] =	sst s1;
	(tag) =	ssettag s2;
	_ =	strace s9  }
0x27: {  	s1 =	sld [smem:$0x3FAF]  }
0x28: {  	s2 =	sld [smem:$0x3FB0]  }
0x29: {  	s4 =	sld [smem:$0x3FB2]  }
0x2a: {  	p0 =	seq.s32 s5, $0x0;
	s5 =	sld [smem:$0x3FB3]  }
0x2b: {  	s6 =	sld [smem:$0x3FB4]  }
0x2c: {  	s7 =	sld [smem:$0x3FB5]  }
0x2d: {  	s3 =	simm.s32 $0x108;
	s8 =	sld [smem:$0x3FB6]  }
0x2e: {  	s3 =	simm.s32 @!p0 $0x1082;
	s9 =	sld [smem:$0x3FB7]  }
0x2f: {  	lr =	sadd.s32 s0, s3;
	s0 =	sld [smem:$0x3FAE]  }
0x30: {  	s3 =	sld [smem:$0x3FB1]  }
0x31: {  	[smem:$0x3FBA] =	sst s10  }
0x32: {  	s10 =	sld [smem:$0x3FB8];
	_ =	sdelay $0x3  }
0x33: {  	p0 =	seq.s32 s10, $0x1;
	s10 =	sld [smem:$0x3FBA];
	_ =	sdelay $0x3  }
0x34: {  	[smem:$0x3FBA] =	sst s10  }
0x35: {  	s10 =	sld [smem:$0x3FB9];
	_ =	sdelay $0x3  }
0x36: {  	p1 =	seq.s32 s10, $0x1;
	s10 =	sld [smem:$0x3FBA];
	_ =	sdelay $0x3  }
0x37: {  	[smem:$0x3FBA] =	sst s10  }
0x38: {  	s10 =	sld [smem:$0x3FBB]  }
0x39: {  	_ = 	snop;
	(pc) =	sbr.ind lr, $3  }
0x3a: {  	_ = 	snop  }
0x3b: {  	_ = 	snop  }
0x3c: {  	p2 =	seq.s32 s10, $0x1;
	s10 =	sld [smem:$0x3FBA]  }
0x3d: {  	_ =	shalt  }
0x3e: {  	_ =	shalt  }
0x3f: {  	_ =	shalt  }
0x40: {  	_ =	shalt  }
0x41: {  	_ =	shalt  }
0x42: {  	_ =	shalt  }
0x43: {  	_ =	shalt  }
0x44: {  	_ =	shalt  }
0x45: {  	_ =	shalt  }
0x46: {  	_ =	shalt  }
0x47: {  	_ =	shalt  }
0x48: {  	_ =	shalt  }
0x49: {  	_ =	shalt  }
0x4a: {  	_ =	shalt  }
0x4b: {  	_ =	shalt  }
0x4c: {  	_ =	shalt  }
0x4d: {  	_ =	shalt  }
0x4e: {  	_ =	shalt  }
0x4f: {  	_ =	shalt  }
0x50: {  	_ =	shalt  }
0x51: {  	_ =	shalt  }
0x52: {  	_ =	shalt  }
0x53: {  	_ =	shalt  }
0x54: {  	_ =	shalt  }
0x55: {  	_ =	shalt  }
0x56: {  	_ =	shalt  }
0x57: {  	_ =	shalt  }
0x58: {  	_ =	shalt  }
0x59: {  	_ =	shalt  }
0x5a: {  	_ =	shalt  }
0x5b: {  	_ =	shalt  }
0x5c: {  	_ =	shalt  }
0x5d: {  	_ =	shalt  }
0x5e: {  	_ =	shalt  }
0x5f: {  	_ =	shalt  }
0x60: {  	_ =	shalt  }
0x61: {  	_ =	shalt  }
0x62: {  	_ =	shalt  }
0x63: {  	_ =	shalt  }
0x64: {  	_ =	shalt  }
0x65: {  	_ =	shalt  }
0x66: {  	_ =	shalt  }
0x67: {  	_ =	shalt  }
0x68: {  	_ =	shalt  }
0x69: {  	_ =	shalt  }
0x6a: {  	_ =	shalt  }
0x6b: {  	_ =	shalt  }
0x6c: {  	_ =	shalt  }
0x6d: {  	_ =	shalt  }
0x6e: {  	_ =	shalt  }
0x6f: {  	_ =	shalt  }
0x70: {  	_ =	shalt  }
0x71: {  	_ =	shalt  }
0x72: {  	_ =	shalt  }
0x73: {  	_ =	shalt  }
0x74: {  	_ =	shalt  }
0x75: {  	_ =	shalt  }
0x76: {  	_ =	shalt  }
0x77: {  	_ =	shalt  }
0x78: {  	_ =	shalt  }
0x79: {  	_ =	shalt  }
0x7a: {  	_ =	shalt  }
0x7b: {  	_ =	shalt  }
0x7c: {  	_ =	shalt  }
0x7d: {  	_ =	shalt  }
0x7e: {  	_ =	shalt  }
0x7f: {  	_ =	shalt  }
0x80: {  	_ =	shalt  }
0x81: {  	_ =	shalt  }
0x82: {  	_ =	shalt  }
0x83: {  	_ =	shalt  }
0x84: {  	_ =	shalt  }
0x85: {  	_ =	shalt  }
0x86: {  	_ =	shalt  }
0x87: {  	_ =	shalt  }
.Lfunc_end0:
.L_simem_size_0:
called_computation_lowered:
.L_overlay_start_0:
0x88: {  	s2 =	sld [smem:$0x3FD9]  }
0x89: {  	s3 =	sld [smem:$0x3FFE];
	_ =	sdelay $0x1  }
0x8a: {  	s1 =	srdreg.scid  }
0x8b: {  	s0 =	sand.u32 $0x1, s1  }
0x8c: {  	s18 =	sshll.u32 s0, $0xA;
	s2 =	sadd.s32 s3, s2  }
0x8d: {  	s2 =	sadd.s32 s2, s18  }
0x8e: {  	[smem:$0x3FC6] =	sst s2  }
0x8f: {  	_ = 	snop  }
0x90: {  	s2 =	sld [smem:$0x3FC9]  }
0x91: {  	s19 =	sld [smem:$0x3FC8]  }
0x92: {  	s4 =	sld [smem:$0x3FD0];
	(tm) =	ssettm $0x1  }
0x93: {  	s5 =	sld [smem:$0x3FFB];
	_ =	sdelay $0x3  }
0x94: {  	_ =	strace s5  }
0x95: {  	s5 =	sld [smem:$0x3FFC];
	_ =	sdelay $0x3  }
0x96: {  	_ =	strace s5  }
0x97: {  	s5 =	sld [smem:$0x3FFD];
	_ =	sdelay $0x3  }
0x98: {  	_ =	strace s5  }
0x99: {  	_ =	strace $0x8FFFFFFF  }
0x9a: {  	s20 =	sld [smem:$0x3FDB];
	_ =	sdelay $0x1  }
0x9b: {  	s6 =	simm.s32 $_scs_section_size  }
0x9c: {  	s7 =	simm.s32 $_size__tile_overlayer_lowered;
	s8 =	simm.s32 $_tile_overlayer_lowered  }
0x9d: {  	s23 =	simm.s32 $0x1BFF;
	s22 =	sshll.u32 s8, $0x1;
	s5 =	sadd.s32 s6, s20  }
0x9e: {  	s9 =	simm.s32 $0x0;
	s21 =	sshll.u32 s7, $0x1;
	s7 =	sadd.s32 s22, s5  }
0x9f: {  	[timem:s9], [sflag:s23] =	dma.local [hbm:s7], s21  }
0xa0: {  	_ =	swait.ge [sflag:s23], s21  }
0xa1: {  	s6 =	ssub.s32 $0x0, s21;
	[sflag:s23] =	ssyncset.done $0x0  }
0xa2: {  	[sflag:s23] =	ssyncadd.s32 s6;
	_ =	sdelay $0x1  }
0xa3: {  	s24 =	simm.s32 $0x1B8B  }
0xa4: {  	_ =	swait.ge [sflag:s24], $0x1  }
0xa5: {  	[sflag:s24] =	ssyncset.done $0x0  }
0xa6: {  	s25 =	simm.s32 $0x1B8E;
	[sflag:s24] =	ssyncadd.s32 $0xFFFFFFFF  }
0xa7: {  	s26 =	simm.s32 $execute0_lowered;
	[smem:$0x3FD2] =	sst s25  }
0xa8: {  	s6 =	sshll.u32 s26, $0x1;
	_ =	strace $0x80000046;
	[dreg:$0x1] =	wrdreg $0xFFFFFFFF  }
0xa9: {  	s28 =	simm.s32 $_size_execute0_lowered;
	s5 =	sadd.s32 s5, s6;
	[dreg:$0x0] =	wrdreg $0x0  }
0xaa: {  	s6 =	sshll.u32 s28, $0x1;
	[dreg:$0x2] =	wrdreg s5  }
0xab: {  	[dreg:$0x3] =	wrdreg s6  }
0xac: {  	[dreg:$0x4] =	wrdreg $0xC0  }
0xad: {  	_ =	task [dreg:s9], $0x5FFFF  }
0xae: {  	[dreg:$0x1] =	wrdreg $0xFFFFFFFF  }
0xaf: {  	[dreg:$0x0] =	wrdreg $0x60  }
0xb0: {  	[dreg:$0x2] =	wrdreg s19  }
0xb1: {  	[dreg:$0x3] =	wrdreg s2  }
0xb2: {  	[dreg:$0x4] =	wrdreg s4  }
0xb3: {  	[dreg:$0x5] =	wrdreg $0x9  }
0xb4: {  	_ =	task.clear_ibuf [dreg:s9], $0x6FFFF;
	_ =	strace $0x90000046  }
0xb5: {  	s29 =	simm.s32 $0x9;
	_ =	strace $0x80000048  }
0xb6: {  	_ =	swait.ge [sflag:s29], $0x1  }
0xb7: {  	[sflag:s29] =	ssyncadd.s32 $0xFFFFFFFF  }
0xb8: {  	_ =	strace $0x90000048  }
0xb9: {  	_ =	sfence  }
0xba: {  	s30 =	sld [smem:$0x0];
	_ =	sdelay $0x2  }
0xbb: {  	s31 =	sshll.u32 s1, $0xD;
	s1 =	sshrl.u32 s1, $0x2  }
0xbc: {  	s3 =	sand.u32 $0x4000, s31;
	s1 =	sadd.s32 s1, s30  }
0xbd: {  	s0 =	sor.u32 s3, s0;
	s1 =	sshll.u32 s1, $0x11  }
0xbe: {  	s0 =	sor.u32 s1, s0  }
0xbf: {  	s0 =	sadd.s32 $0x8F2B, s0  }
0xc0: {  	[sflag:s0] =	ssyncadd.remote.s32 $0x1  }
0xc1: {  	_ =	sfence.sel $0xFFFF  }
0xc2: {  	[dreg:$0x0] =	wrdreg $0xFFFFFFFF;
	(pc) =	sbr.abs _section_cstart, $3  }
0xc3: {  	[dreg:$0x1] =	wrdreg $0xFFFFFFFF  }
0xc4: {  	_ =	task.clear_ibuf [dreg:s9], $0x2FFFF;
	_ =	strace $0x9FFFFFFF  }
0xc5: {  	(tm) =	ssettm $0x7FFFFFFF  }
tec
execute0_lowered:
.L_overlay_start_1:
0x0: {  	(tag) =	ssettag $0x1  }
0x1: {  	s1 =	rddreg [dreg:$0x0]  }
0x2: {  	s0 =	rddreg [dreg:$0x1]  }
0x3: {  	s2 =	srdreg.scid;
	s9 =	stileid.u32  }
0x4: {  	s21 =	rddreg [dreg:$0x2];
	s4 =	simm.s32 $0x0;
	s17 =	simm.s32 $0x80  }
0x5: {  	s18 =	simm.s32 $0x1900;
	s19 =	simm.s32 $0x5900;
	s24 =	smul.u32 $0x190000, s9  }
0x6: {  	s22 =	simm.s32 $0xD900;
	s2 =	sand.u32 $0x1, s2;
	s30 =	smul.u32 $0x32000, s9  }
0x7: {  	s23 =	simm.s32 $0x1;
	s3 =	sshll.u32 s9, $0x1;
	s10 =	smul.u32 $0xC8000, s2  }
0x8: {  	s3 =	sor.u32 s2, s3;
	s6 =	ssub.s32 $0x2, s2;
	s2 =	smul.u32 $0x19000, s2  }
0x9: {  	s28 =	simm.s32 $0x5;
	s13 =	simm.s32 $0x0;
	s5 =	smul.u32 $0x1900, s3  }
0xa: {  	[smem:$0x7FF] =	sst s4;
	s7 =	smul.u32 $0xC8000, s3;
	s8 =	sshrl.u32 s6, $0x1  }
0xb: {  	_ =	strace $0x80000047;
	s3 =	smul.u32 $0x19000, s3;
	s6 =	ssub.s32 s6, s8  }
0xc: {  	s5 =	sshrl.u32 s5, $0x3;
	[dreg:$0x5] =	wrdreg s7;
	s31 =	smax.u32 s6, $0x1  }
0xd: {  	s3 =	sadd.s32 s21, s3;
	s5 =	sadd.s32 s0, s5;
	[dreg:$0xc] =	wrdreg s31  }
0xe: {  	s11 =	sadd.s32 s2, s30;
	s3 =	sadd.s32 $0x17800, s3;
	[dreg:$0x7] =	wrdreg s5  }
0xf: {  	s2 =	simm.s32 $0x9;
	s25 =	sadd.s32 $0xA0, s5;
	[dreg:$0x4] =	wrdreg s3  }
0x10: {  	s0 =	sadd.s32 s10, s24;
	s26 =	sadd.s32 $0x140, s5;
	[dreg:$0x8] =	wrdreg s25  }
0x11: {  	s24 =	simm.s32 $0x11900;
	s29 =	sadd.s32 $0x1E0, s5;
	[dreg:$0x9] =	wrdreg s26  }
0x12: {  	s5 =	sadd.s32 $0x280, s5;
	s0 =	sadd.s32 $0x10000, s0;
	[dreg:$0xa] =	wrdreg s29  }
0x13: {  	[dreg:$0xb] =	wrdreg s5;
	s0 =	sshrl.u32 s0, $0x3;
	s25 =	simm.s32 $0x2  }
0x14: {  	s26 =	simm.s32 $0x4;
	[dreg:$0x6] =	wrdreg s0;
	s0 =	simm.s32 $0xA  }
.LBB2_1:
0x15: {  	s3 =	rddreg [dreg:$0x7];
	s5 =	simm.s32 $0xC  }
0x16: {  	[tilespmem:s4], [sflag:$0xC] =	stream.linear.gather [hbm4b:s3+s4], $0x500, $0x38;
	[tilespmem:$0x15900] =	vst v63  }
0x17: {  	_ =	swait.ge [sflag:s5], $0x500  }
0x18: {  	[sflag:s5] =	ssyncset.done $0x0  }
0x19: {  	s6 =	rddreg [dreg:$0x8];
	[sflag:s5] =	ssyncadd.s32 $0xFFFFFB00;
	s5 =	simm.s32 $0x500  }
0x1a: {  	[tilespmem:s5], [sflag:$0xB] =	stream.linear.gather [hbm4b:s6+s4], $0x500, $0x38;
	[tilespmem:$0x15900] =	vst v63  }
0x1b: {  	s8 =	simm.s32 $0xA00;
	s7 =	rddreg [dreg:$0x9]  }
0x1c: {  	[tilespmem:s8], [sflag:$0xB] =	stream.linear.gather [hbm4b:s7+s4], $0x500, $0x38;
	[tilespmem:$0x15900] =	vst v63  }
0x1d: {  	s10 =	simm.s32 $0xF00;
	s9 =	rddreg [dreg:$0xa]  }
0x1e: {  	[tilespmem:s10], [sflag:$0xB] =	stream.linear.gather [hbm4b:s9+s4], $0x500, $0x38;
	[tilespmem:$0x15900] =	vst v63  }
0x1f: {  	s14 =	simm.s32 $0x1400;
	p0 =	por $0x1, $0x1;
	s12 =	rddreg [dreg:$0xb]  }
0x20: {  	[tilespmem:s14], [sflag:$0xB] =	stream.linear.gather [hbm4b:s12+s4], $0x500, $0x38;
	[tilespmem:$0x15900] =	vst v63  }
0x21: {  	p2 =	por @!p0 $0x1, $0x1  }
0x22: {  	[tilespmem:s18], [sflag:$0x1] =	stream.indirect.gather [hbm4b:s1+s17], $0x80, s4, s17, $0xb8;
	[tilespmem:$0x15900] =	vst v63  }
0x23: {  	p1 =	por p2, p0  }
0x24: {  	[tilespmem:s19], [sflag:$0x2] =	stream.indirect.gather [hbm4b:s1+s17], $0x80, s17, s17, $0xb8;
	[tilespmem:$0x15900] =	vst v63  }
0x25: {  	s15 =	simm.s32 $0x100;
	s16 =	simm.s32 $0x9900;
	s6 =	simm.s32 @!p1 $0xB  }
0x26: {  	[tilespmem:s16], [sflag:$0x3] =	stream.indirect.gather [hbm4b:s1+s17], $0x80, s15, s17, $0xb8;
	[tilespmem:$0x15900] =	vst v63  }
0x27: {  	_ =	swait.ge @!p1 [sflag:s6], $0x500  }
0x28: {  	[sflag:s6] =	ssyncset.done @!p1 $0x0  }
0x29: {  	[sflag:s6] =	ssyncadd.s32 @!p1 $0xFFFFFB00  }
0x2a: {  	_ =	swait.ge @!p1 [sflag:s6], $0x500  }
0x2b: {  	[sflag:s6] =	ssyncset.done @!p1 $0x0  }
0x2c: {  	[sflag:s6] =	ssyncadd.s32 @!p1 $0xFFFFFB00  }
0x2d: {  	_ =	swait.ge @!p1 [sflag:s6], $0x500  }
0x2e: {  	[sflag:s6] =	ssyncset.done @!p1 $0x0  }
0x2f: {  	[sflag:s6] =	ssyncadd.s32 @!p1 $0xFFFFFB00  }
0x30: {  	s3 =	simm.s32 $0x3;
	p2 =	por !p2, p0;
	_ =	swait.ge @!p1 [sflag:s6], $0x500  }
0x31: {  	s3 =	simm.s32 @p2 $0x8;
	[sflag:s6] =	ssyncset.done @!p1 $0x0  }
0x32: {  	s7 =	simm.s32 $0x3;
	s14 =	simm.s32 @!p0 $0x9;
	[sflag:s6] =	ssyncadd.s32 @!p1 $0xFFFFFB00  }
0x33: {  	s3 =	smov.u32 @p0 s7;
	_ =	swait.ge @!p0 [sflag:s14], $0x4000  }
0x34: {  	s20 =	sshll.u32 s3, $0x7;
	[sflag:s14] =	ssyncset.done @!p0 $0x0  }
0x35: {  	s6 =	sand.u32 $0x3FFFFF80, s20;
	[sflag:s14] =	ssyncadd.s32 @!p0 $0xFFFFC000  }
0x36: {  	[tilespmem:s22], [sflag:$0x4] =	stream.indirect.gather [hbm4b:s1+s17], $0x80, s6, s17, $0xb8;
	[tilespmem:$0x15900] =	vst v63  }
0x37: {  	p2 =	por $0x1, $0x1;
	p1 =	por @!p0 $0x0, $0x0;
	_ =	swait.ge [sflag:s23], $0x4000  }
0x38: {  	p2 =	por @!p0 p1, p1;
	[sflag:s23] =	ssyncset.done $0x0  }
0x39: {  	s29 =	sadd.s32 s21, s11;
	s7 =	simm.s32 @!p2 $0xA;
	[sflag:s23] =	ssyncadd.s32 $0xFFFFC000  }
0x3a: {  	[hbm4b:s29+s4] =	stream.linear.scatter [tilespmem:s18], [sflag:$0x6], $0x4000, $0x38;
	[tilespmem:$0x15900] =	vst v63  }
0x3b: {  	_ =	swait.ge @!p2 [sflag:s7], $0x4000  }
0x3c: {  	[sflag:s7] =	ssyncset.done @!p2 $0x0  }
0x3d: {  	s30 =	simm.s32 $0x200;
	[sflag:s7] =	ssyncadd.s32 @!p2 $0xFFFFC000  }
0x3e: {  	[tilespmem:s24], [sflag:$0x5] =	stream.indirect.gather [hbm4b:s1+s17], $0x80, s30, s17, $0xb8;
	[tilespmem:$0x15900] =	vst v63  }
0x3f: {  	_ =	swait.ge [sflag:s25], $0x4000  }
0x40: {  	[sflag:s25] =	ssyncset.done $0x0  }
0x41: {  	p0 =	por $0x0, $0x0;
	s6 =	sadd.s32 $0x800, s29;
	[sflag:s25] =	ssyncadd.s32 $0xFFFFC000  }
0x42: {  	[hbm4b:s6+s4] =	stream.linear.scatter [tilespmem:s19], [sflag:$0x7], $0x4000, $0x38;
	[tilespmem:$0x15900] =	vst v63  }
0x43: {  	s6 =	simm.s32 @p0 $0x3  }
0x44: {  	_ =	swait.ge @p0 [sflag:s6], $0x4000  }
0x45: {  	s14 =	simm.s32 @p0 $0x9900;
	s15 =	simm.s32 @!p0 $0x6;
	[sflag:s6] =	ssyncset.done @p0 $0x0  }
0x46: {  	s7 =	rddreg [dreg:$0x4];
	[sflag:s6] =	ssyncadd.s32 @p0 $0xFFFFC000;
	s6 =	simm.s32 @p0 $0x0  }
0x47: {  	[hbm4b:s7+s6] =	stream.linear.scatter @p0 [tilespmem:s14], [sflag:$0x8], $0x4000, $0x38;
	[tilespmem:$0x15900] =	vst v63  }
0x48: {  	_ =	swait.ge @!p0 [sflag:s15], $0x4000  }
0x49: {  	s6 =	simm.s32 @!p0 $0x280;
	s7 =	simm.s32 @!p0 $0x80;
	[sflag:s15] =	ssyncset.done @!p0 $0x0  }
0x4a: {  	s14 =	simm.s32 @!p0 $0x1900;
	[sflag:s15] =	ssyncadd.s32 @!p0 $0xFFFFC000;
	s15 =	simm.s32 @!p0 $0x3  }
0x4b: {  	[tilespmem:s14], [sflag:$0x1] =	stream.indirect.gather @!p0 [hbm4b:s1+s7], $0x80, s6, s7, $0xb8;
	[tilespmem:$0x15900] =	vst v63  }
0x4c: {  	s16 =	simm.s32 @!p0 $0x9900;
	_ =	swait.ge @!p0 [sflag:s15], $0x4000  }
0x4d: {  	s6 =	sadd.s32 @!p0 s21, s11;
	s14 =	simm.s32 @!p0 $0x0;
	[sflag:s15] =	ssyncset.done @!p0 $0x0  }
0x4e: {  	s6 =	sadd.s32 @!p0 $0x1000, s6;
	[sflag:s15] =	ssyncadd.s32 @!p0 $0xFFFFC000;
	s15 =	simm.s32 @!p0 $0x7  }
0x4f: {  	[hbm4b:s6+s14] =	stream.linear.scatter @!p0 [tilespmem:s16], [sflag:$0x8], $0x4000, $0x38;
	[tilespmem:$0x15900] =	vst v63  }
0x50: {  	_ =	swait.ge @!p0 [sflag:s15], $0x4000  }
0x51: {  	[sflag:s15] =	ssyncset.done @!p0 $0x0  }
0x52: {  	s6 =	simm.s32 @!p0 $0x300;
	s14 =	simm.s32 @!p0 $0x5900;
	[sflag:s15] =	ssyncadd.s32 @!p0 $0xFFFFC000  }
0x53: {  	[tilespmem:s14], [sflag:$0x2] =	stream.indirect.gather @!p0 [hbm4b:s1+s7], $0x80, s6, s7, $0xb8;
	[tilespmem:$0x15900] =	vst v63  }
0x54: {  	_ =	swait.ge [sflag:s26], $0x4000  }
0x55: {  	s3 =	sshll.u32 s3, $0xE;
	s31 =	rddreg [dreg:$0x5]  }
0x56: {  	s3 =	sadd.s32 s31, s3  }
0x57: {  	[sflag:s26] =	ssyncset.done $0x0;
	s3 =	sshrl.u32 s3, $0x3  }
0x58: {  	s6 =	simm.s32 @!p0 $0x8;
	[sflag:s26] =	ssyncadd.s32 $0xFFFFC000;
	s3 =	sadd.s32 s21, s3  }
0x59: {  	[hbm4b:s3+s4] =	stream.linear.scatter [tilespmem:s22], [sflag:$0x9], $0x4000, $0x38;
	[tilespmem:$0x15900] =	vst v63  }
0x5a: {  	p1 =	por $0x0, $0x0;
	_ =	swait.ge @!p0 [sflag:s6], $0x4000  }
0x5b: {  	s20 =	simm.s32 $0x1400;
	p3 =	por @!p1 $0x0, $0x0;
	[sflag:s6] =	ssyncset.done @!p0 $0x0  }
0x5c: {  	p2 =	por @!p1 $0x0, $0x0;
	s3 =	simm.s32 @!p0 $0x380;
	[sflag:s6] =	ssyncadd.s32 @!p0 $0xFFFFC000  }
0x5d: {  	[tilespmem:s16], [sflag:$0x3] =	stream.indirect.gather @!p0 [hbm4b:s1+s7], $0x80, s3, s7, $0xb8;
	[tilespmem:$0x15900] =	vst v63  }
0x5e: {  	s15 =	simm.s32 $0xA00;
	s14 =	sadd.s32 $0x2800, s21;
	_ =	swait.ge [sflag:s28], $0x4000  }
0x5f: {  	s6 =	simm.s32 $0x8;
	s3 =	smov.u32 s21;
	s16 =	rddreg [dreg:$0x6]  }
.LBB2_2:
0x60: {  	p4 =	por p3, p1;
	[sflag:s28] =	ssyncset.done $0x0  }
0x61: {  	s16 =	sadd.s32 s3, s16;
	s8 =	simm.s32 @!p4 $0xB;
	[sflag:s28] =	ssyncadd.s32 $0xFFFFC000  }
0x62: {  	[hbm4b:s16+s4] =	stream.linear.scatter [tilespmem:s24], [sflag:$0xA], $0x4000, $0x38;
	[tilespmem:$0x15900] =	vst v63  }
0x63: {  	_ =	swait.ge @!p4 [sflag:s8], $0x500  }
0x64: {  	[sflag:s8] =	ssyncset.done @!p4 $0x0  }
0x65: {  	[sflag:s8] =	ssyncadd.s32 @!p4 $0xFFFFFB00  }
0x66: {  	_ =	swait.ge @!p4 [sflag:s8], $0x500  }
0x67: {  	[sflag:s8] =	ssyncset.done @!p4 $0x0  }
0x68: {  	[sflag:s8] =	ssyncadd.s32 @!p4 $0xFFFFFB00  }
0x69: {  	_ =	swait.ge @!p4 [sflag:s8], $0x500  }
0x6a: {  	[sflag:s8] =	ssyncset.done @!p4 $0x0  }
0x6b: {  	[sflag:s8] =	ssyncadd.s32 @!p4 $0xFFFFFB00  }
0x6c: {  	_ =	swait.ge @!p4 [sflag:s8], $0x500  }
0x6d: {  	p3 =	por !p3, p1;
	s16 =	smov.u32 s6;
	[sflag:s8] =	ssyncset.done @!p4 $0x0  }
0x6e: {  	s9 =	simm.s32 @!p1 $0x9;
	s16 =	simm.s32 @p3 $0x8;
	[sflag:s8] =	ssyncadd.s32 @!p4 $0xFFFFFB00  }
0x6f: {  	s16 =	smov.u32 @p1 s6;
	_ =	swait.ge @!p1 [sflag:s9], $0x4000  }
0x70: {  	s10 =	sshll.u32 s16, $0x7;
	[sflag:s9] =	ssyncset.done @!p1 $0x0  }
0x71: {  	s8 =	sand.u32 $0x3FFFFF80, s10;
	[sflag:s9] =	ssyncadd.s32 @!p1 $0xFFFFC000  }
0x72: {  	[tilespmem:s22], [sflag:$0x4] =	stream.indirect.gather [hbm4b:s1+s17], $0x80, s8, s17, $0xb8;
	[tilespmem:$0x15900] =	vst v63  }
0x73: {  	p3 =	por $0x1, $0x1;
	_ =	swait.ge [sflag:s23], $0x4000  }
0x74: {  	p3 =	por @!p1 p2, p2;
	[sflag:s23] =	ssyncset.done $0x0  }
0x75: {  	s12 =	sadd.s32 s14, s11;
	s9 =	simm.s32 @!p3 $0xA;
	[sflag:s23] =	ssyncadd.s32 $0xFFFFC000  }
0x76: {  	[hbm4b:s12+s4] =	stream.linear.scatter [tilespmem:s18], [sflag:$0x6], $0x4000, $0x38;
	[tilespmem:$0x15900] =	vst v63  }
0x77: {  	_ =	swait.ge @!p3 [sflag:s9], $0x4000  }
0x78: {  	s10 =	sshra.s32 s15, $0x2;
	[sflag:s9] =	ssyncset.done @!p3 $0x0  }
0x79: {  	s29 =	sadd.s32 $0x200, s10;
	[sflag:s9] =	ssyncadd.s32 @!p3 $0xFFFFC000  }
0x7a: {  	[tilespmem:s24], [sflag:$0x5] =	stream.indirect.gather [hbm4b:s1+s17], $0x80, s29, s17, $0xb8;
	[tilespmem:$0x15900] =	vst v63  }
0x7b: {  	_ =	swait.ge [sflag:s25], $0x4000  }
0x7c: {  	[sflag:s25] =	ssyncset.done $0x0  }
0x7d: {  	p1 =	seq.s32 s15, $0x5A00;
	s8 =	sadd.s32 $0x800, s12;
	[sflag:s25] =	ssyncadd.s32 $0xFFFFC000  }
0x7e: {  	[hbm4b:s8+s4] =	stream.linear.scatter [tilespmem:s19], [sflag:$0x7], $0x4000, $0x38;
	[tilespmem:$0x15900] =	vst v63  }
0x7f: {  	s8 =	simm.s32 @p1 $0x3  }
0x80: {  	s7 =	smov.u32 s20;
	_ =	swait.ge @p1 [sflag:s8], $0x4000  }
0x81: {  	s30 =	simm.s32 @p1 $0x9900;
	s31 =	simm.s32 @!p1 $0x6;
	[sflag:s8] =	ssyncset.done @p1 $0x0  }
0x82: {  	s12 =	rddreg [dreg:$0x4];
	[sflag:s8] =	ssyncadd.s32 @p1 $0xFFFFC000;
	s8 =	simm.s32 @p1 $0x0  }
0x83: {  	[hbm4b:s12+s8] =	stream.linear.scatter @p1 [tilespmem:s30], [sflag:$0x8], $0x4000, $0x38;
	[tilespmem:$0x15900] =	vst v63  }
0x84: {  	s9 =	sshra.s32 @!p1 s15, $0x2;
	s15 =	smov.u32 s7;
	_ =	swait.ge @!p1 [sflag:s31], $0x4000  }
0x85: {  	s7 =	simm.s32 @!p1 $0x80;
	s5 =	sadd.s32 @!p1 $0x280, s9;
	[sflag:s31] =	ssyncset.done @!p1 $0x0  }
0x86: {  	s8 =	simm.s32 @!p1 $0x1900;
	s12 =	simm.s32 @!p1 $0x3;
	[sflag:s31] =	ssyncadd.s32 @!p1 $0xFFFFC000  }
0x87: {  	[tilespmem:s8], [sflag:$0x1] =	stream.indirect.gather @!p1 [hbm4b:s1+s7], $0x80, s5, s7, $0xb8;
	[tilespmem:$0x15900] =	vst v63  }
0x88: {  	s10 =	sadd.s32 @!p1 s14, s11;
	_ =	swait.ge @!p1 [sflag:s12], $0x4000  }
0x89: {  	s10 =	sadd.s32 @!p1 $0x1000, s10;
	s5 =	simm.s32 @!p1 $0x0;
	[sflag:s12] =	ssyncset.done @!p1 $0x0  }
0x8a: {  	s8 =	simm.s32 @!p1 $0x9900;
	[sflag:s12] =	ssyncadd.s32 @!p1 $0xFFFFC000;
	s12 =	simm.s32 @!p1 $0x7  }
0x8b: {  	[hbm4b:s10+s5] =	stream.linear.scatter @!p1 [tilespmem:s8], [sflag:$0x8], $0x4000, $0x38;
	[tilespmem:$0x15900] =	vst v63  }
0x8c: {  	_ =	swait.ge @!p1 [sflag:s12], $0x4000  }
0x8d: {  	[sflag:s12] =	ssyncset.done @!p1 $0x0  }
0x8e: {  	s29 =	sadd.s32 @!p1 $0x300, s9;
	s5 =	simm.s32 @!p1 $0x5900;
	[sflag:s12] =	ssyncadd.s32 @!p1 $0xFFFFC000  }
0x8f: {  	[tilespmem:s5], [sflag:$0x2] =	stream.indirect.gather @!p1 [hbm4b:s1+s7], $0x80, s29, s7, $0xb8;
	[tilespmem:$0x15900] =	vst v63  }
0x90: {  	_ =	swait.ge [sflag:s26], $0x4000  }
0x91: {  	s31 =	sshll.u32 s16, $0xE;
	s30 =	rddreg [dreg:$0x5]  }
0x92: {  	s5 =	sadd.s32 s30, s31  }
0x93: {  	s20 =	sadd.s32 $0xA00, s20;
	[sflag:s26] =	ssyncset.done $0x0;
	s5 =	sshrl.u32 s5, $0x3  }
0x94: {  	s10 =	simm.s32 @!p1 $0x8;
	[sflag:s26] =	ssyncadd.s32 $0xFFFFC000;
	s5 =	sadd.s32 s21, s5  }
0x95: {  	[hbm4b:s5+s4] =	stream.linear.scatter [tilespmem:s22], [sflag:$0x9], $0x4000, $0x38;
	[tilespmem:$0x15900] =	vst v63  }
0x96: {  	p0 =	sne.s32 s20, $0x6400;
	_ =	swait.ge @!p1 [sflag:s10], $0x4000  }
.Ltmp0:
0x97: {  	s3 =	smov.u32 s14;
	[sflag:s10] =	ssyncset.done @!p1 $0x0;
	(pc) =	sbr.rel @p0 .LBB2_2-.Ltmp0, $4  }
0x98: {  	s6 =	sadd.s32 $0x5, s6;
	s9 =	sadd.s32 @!p1 $0x380, s9;
	[sflag:s10] =	ssyncadd.s32 @!p1 $0xFFFFC000  }
0x99: {  	[tilespmem:s8], [sflag:$0x3] =	stream.indirect.gather @!p1 [hbm4b:s1+s7], $0x80, s9, s7, $0xb8;
	[tilespmem:$0x15900] =	vst v63  }
0x9a: {  	s14 =	sadd.s32 $0x2800, s14;
	p1 =	seq.s32 s15, $0x0;
	_ =	swait.ge [sflag:s28], $0x4000  }
0x9b: {  	p3 =	sne.s32 @!p1 s15, $0xA00;
	p2 =	por @!p1 $0x0, $0x0;
	s16 =	rddreg [dreg:$0x6]  }
0x9c: {  	p0 =	por p3, p1;
	[sflag:s28] =	ssyncset.done $0x0  }
0x9d: {  	s3 =	sadd.s32 s3, s16;
	s5 =	simm.s32 @!p0 $0xB;
	[sflag:s28] =	ssyncadd.s32 $0xFFFFC000  }
0x9e: {  	[hbm4b:s3+s4] =	stream.linear.scatter [tilespmem:s24], [sflag:$0xA], $0x4000, $0x38;
	[tilespmem:$0x15900] =	vst v63  }
0x9f: {  	_ =	swait.ge @!p0 [sflag:s5], $0x500  }
0xa0: {  	[sflag:s5] =	ssyncset.done @!p0 $0x0  }
0xa1: {  	[sflag:s5] =	ssyncadd.s32 @!p0 $0xFFFFFB00  }
0xa2: {  	_ =	swait.ge @!p0 [sflag:s5], $0x500  }
0xa3: {  	[sflag:s5] =	ssyncset.done @!p0 $0x0  }
0xa4: {  	[sflag:s5] =	ssyncadd.s32 @!p0 $0xFFFFFB00  }
0xa5: {  	_ =	swait.ge @!p0 [sflag:s5], $0x500  }
0xa6: {  	[sflag:s5] =	ssyncset.done @!p0 $0x0  }
0xa7: {  	[sflag:s5] =	ssyncadd.s32 @!p0 $0xFFFFFB00  }
0xa8: {  	_ =	swait.ge @!p0 [sflag:s5], $0x500  }
0xa9: {  	p3 =	por !p3, p1;
	s3 =	smov.u32 s6;
	[sflag:s5] =	ssyncset.done @!p0 $0x0  }
0xaa: {  	s7 =	simm.s32 @!p1 $0x9;
	s3 =	simm.s32 @p3 $0x8;
	[sflag:s5] =	ssyncadd.s32 @!p0 $0xFFFFFB00  }
0xab: {  	s3 =	smov.u32 @p1 s6;
	_ =	swait.ge @!p1 [sflag:s7], $0x4000  }
0xac: {  	s8 =	sshll.u32 s3, $0x7;
	[sflag:s7] =	ssyncset.done @!p1 $0x0  }
0xad: {  	s5 =	sand.u32 $0x3FFFFF80, s8;
	[sflag:s7] =	ssyncadd.s32 @!p1 $0xFFFFC000  }
0xae: {  	[tilespmem:s22], [sflag:$0x4] =	stream.indirect.gather [hbm4b:s1+s17], $0x80, s5, s17, $0xb8;
	[tilespmem:$0x15900] =	vst v63  }
0xaf: {  	p0 =	por $0x1, $0x1;
	_ =	swait.ge [sflag:s23], $0x4000  }
0xb0: {  	p0 =	por @!p1 p2, p2;
	[sflag:s23] =	ssyncset.done $0x0  }
0xb1: {  	s9 =	sadd.s32 s14, s11;
	s6 =	simm.s32 @!p0 $0xA;
	[sflag:s23] =	ssyncadd.s32 $0xFFFFC000  }
0xb2: {  	[hbm4b:s9+s4] =	stream.linear.scatter [tilespmem:s18], [sflag:$0x6], $0x4000, $0x38;
	[tilespmem:$0x15900] =	vst v63  }
0xb3: {  	_ =	swait.ge @!p0 [sflag:s6], $0x4000  }
0xb4: {  	s10 =	sshra.s32 s15, $0x2;
	[sflag:s6] =	ssyncset.done @!p0 $0x0  }
0xb5: {  	s12 =	sadd.s32 $0x200, s10;
	[sflag:s6] =	ssyncadd.s32 @!p0 $0xFFFFC000  }
0xb6: {  	[tilespmem:s24], [sflag:$0x5] =	stream.indirect.gather [hbm4b:s1+s17], $0x80, s12, s17, $0xb8;
	[tilespmem:$0x15900] =	vst v63  }
0xb7: {  	_ =	swait.ge [sflag:s25], $0x4000  }
0xb8: {  	[sflag:s25] =	ssyncset.done $0x0  }
0xb9: {  	s5 =	sadd.s32 $0x800, s9;
	p0 =	seq.s32 s15, $0x5A00;
	[sflag:s25] =	ssyncadd.s32 $0xFFFFC000  }
0xba: {  	[hbm4b:s5+s4] =	stream.linear.scatter [tilespmem:s19], [sflag:$0x7], $0x4000, $0x38;
	[tilespmem:$0x15900] =	vst v63  }
0xbb: {  	s5 =	simm.s32 @p0 $0x3  }
0xbc: {  	_ =	swait.ge @p0 [sflag:s5], $0x4000  }
0xbd: {  	s7 =	simm.s32 @p0 $0x9900;
	s8 =	simm.s32 @!p0 $0x6;
	[sflag:s5] =	ssyncset.done @p0 $0x0  }
0xbe: {  	s6 =	rddreg [dreg:$0x4];
	[sflag:s5] =	ssyncadd.s32 @p0 $0xFFFFC000;
	s5 =	simm.s32 @p0 $0x0  }
0xbf: {  	[hbm4b:s6+s5] =	stream.linear.scatter @p0 [tilespmem:s7], [sflag:$0x8], $0x4000, $0x38;
	[tilespmem:$0x15900] =	vst v63  }
0xc0: {  	s9 =	simm.s32 @!p0 $0x1900;
	_ =	swait.ge @!p0 [sflag:s8], $0x4000  }
0xc1: {  	s5 =	sshra.s32 @!p0 s15, $0x2;
	s7 =	simm.s32 @!p0 $0x80;
	[sflag:s8] =	ssyncset.done @!p0 $0x0  }
0xc2: {  	s6 =	sadd.s32 @!p0 $0x280, s5;
	[sflag:s8] =	ssyncadd.s32 @!p0 $0xFFFFC000;
	s8 =	simm.s32 @!p0 $0x3  }
0xc3: {  	[tilespmem:s9], [sflag:$0x1] =	stream.indirect.gather @!p0 [hbm4b:s1+s7], $0x80, s6, s7, $0xb8;
	[tilespmem:$0x15900] =	vst v63  }
0xc4: {  	_ =	swait.ge @!p0 [sflag:s8], $0x4000  }
0xc5: {  	s6 =	sadd.s32 @!p0 s14, s11;
	s9 =	simm.s32 @!p0 $0x0;
	[sflag:s8] =	ssyncset.done @!p0 $0x0  }
0xc6: {  	s6 =	sadd.s32 @!p0 $0x1000, s6;
	[sflag:s8] =	ssyncadd.s32 @!p0 $0xFFFFC000;
	s8 =	simm.s32 @!p0 $0x9900  }
0xc7: {  	[hbm4b:s6+s9] =	stream.linear.scatter @!p0 [tilespmem:s8], [sflag:$0x8], $0x4000, $0x38;
	[tilespmem:$0x15900] =	vst v63  }
0xc8: {  	s6 =	simm.s32 @!p0 $0x7  }
0xc9: {  	_ =	swait.ge @!p0 [sflag:s6], $0x4000  }
0xca: {  	[sflag:s6] =	ssyncset.done @!p0 $0x0  }
0xcb: {  	s9 =	sadd.s32 @!p0 $0x300, s5;
	[sflag:s6] =	ssyncadd.s32 @!p0 $0xFFFFC000;
	s6 =	simm.s32 @!p0 $0x5900  }
0xcc: {  	[tilespmem:s6], [sflag:$0x2] =	stream.indirect.gather @!p0 [hbm4b:s1+s7], $0x80, s9, s7, $0xb8;
	[tilespmem:$0x15900] =	vst v63  }
0xcd: {  	_ =	swait.ge [sflag:s26], $0x4000  }
0xce: {  	s3 =	sshll.u32 s3, $0xE;
	s15 =	rddreg [dreg:$0x5]  }
0xcf: {  	s3 =	sadd.s32 s15, s3  }
0xd0: {  	[sflag:s26] =	ssyncset.done $0x0;
	s3 =	sshrl.u32 s3, $0x3  }
0xd1: {  	[sflag:s26] =	ssyncadd.s32 $0xFFFFC000;
	s3 =	sadd.s32 s21, s3  }
0xd2: {  	[hbm4b:s3+s4] =	stream.linear.scatter [tilespmem:s22], [sflag:$0x9], $0x4000, $0x38;
	[tilespmem:$0x15900] =	vst v63  }
0xd3: {  	s3 =	simm.s32 @!p0 $0x8  }
0xd4: {  	_ =	swait.ge @!p0 [sflag:s3], $0x4000  }
0xd5: {  	[sflag:s3] =	ssyncset.done @!p0 $0x0  }
0xd6: {  	[sflag:s3] =	ssyncadd.s32 @!p0 $0xFFFFC000;
	s3 =	sadd.s32 @!p0 $0x380, s5  }
0xd7: {  	[tilespmem:s8], [sflag:$0x3] =	stream.indirect.gather @!p0 [hbm4b:s1+s7], $0x80, s3, s7, $0xb8;
	[tilespmem:$0x15900] =	vst v63  }
0xd8: {  	_ =	swait.ge [sflag:s28], $0x4000  }
0xd9: {  	s16 =	rddreg [dreg:$0x6];
	[sflag:s28] =	ssyncset.done $0x0  }
0xda: {  	s20 =	simm.s32 $0x6;
	s3 =	sadd.s32 s14, s16;
	[sflag:s28] =	ssyncadd.s32 $0xFFFFC000  }
0xdb: {  	[hbm4b:s3+s4] =	stream.linear.scatter [tilespmem:s24], [sflag:$0xA], $0x4000, $0x38;
	[tilespmem:$0x15900] =	vst v63  }
0xdc: {  	_ =	swait.ge [sflag:s20], $0x4000  }
0xdd: {  	[sflag:s20] =	ssyncset.done $0x0  }
0xde: {  	s29 =	simm.s32 $0x7;
	[sflag:s20] =	ssyncadd.s32 $0xFFFFC000  }
0xdf: {  	_ =	swait.ge [sflag:s29], $0x4000  }
0xe0: {  	[sflag:s29] =	ssyncset.done $0x0  }
0xe1: {  	s30 =	simm.s32 $0x8;
	[sflag:s29] =	ssyncadd.s32 $0xFFFFC000  }
0xe2: {  	_ =	swait.ge [sflag:s30], $0x4000  }
0xe3: {  	[sflag:s30] =	ssyncset.done $0x0  }
0xe4: {  	[sflag:s30] =	ssyncadd.s32 $0xFFFFC000  }
0xe5: {  	_ =	swait.ge [sflag:s2], $0x4000  }
0xe6: {  	[sflag:s2] =	ssyncset.done $0x0  }
0xe7: {  	[sflag:s2] =	ssyncadd.s32 $0xFFFFC000  }
0xe8: {  	_ =	swait.ge [sflag:s0], $0x4000  }
0xe9: {  	s13 =	sadd.s32 $0x1, s13;
	s31 =	rddreg [dreg:$0xc]  }
0xea: {  	p0 =	sne.s32 s13, s31  }
.Ltmp1:
0xeb: {  	_ = 	snop;
	(pc) =	sbr.rel @p0 .LBB2_1-.Ltmp1, $3  }
0xec: {  	_ =	sdelay $0x1  }
0xed: {  	[sflag:s0] =	ssyncset.done $0x0  }
0xee: {  	[sflag:s0] =	ssyncadd.s32 $0xFFFFC000  }
0xef: {  	_ =	sfence.sel $0x180000  }
0xf0: {  	[bflag:$0x0] =	sbarrier.arrive $0xFFFF  }
0xf1: {  	_ =	strace $0x90000047  }
0xf2: {  	s0 =	stileid.u32;
	[bflag:$0x2] =	sbarrier.arrive $0xFFFF  }
0xf3: {  	p0 =	sne.s32 s0, $0x0;
	s0 =	rddreg [dreg:$0x3]  }
0xf4: {  	s0 =	sadd.s32 @!p0 $0x100000, s0  }
0xf5: {  	[sflag:s0] =	ssyncadd.tile.s32 @!p0 $0x1;
	_ =	shalt  }
.Lfunc_end2:
_tile_overlayer_lowered:
.L_overlay_start_2:
0xf6: {  	(tag) =	ssettag $0x2  }
0xf7: {  	s0 =	rddreg [dreg:$0x0];
	s2 =	stileid.u32  }
0xf8: {  	s1 =	rddreg [dreg:$0x1];
	p0 =	sne.s32 s2, $0x0  }
0xf9: {  	s3 =	rddreg [dreg:$0x2];
	[bflag:$0x3] =	sbarrier.arrive $0xFFFF;
	s2 =	simm.s32 @!p0 $0x1C0C  }
0xfa: {  	[timem:s3], [sflag:s2] =	dma.local @!p0 [hbm:s0], s1  }
0xfb: {  	s0 =	simm.s32 @!p0 $0xC  }
0xfc: {  	_ =	swait.ge @!p0 [sflag:s0], s1  }
0xfd: {  	s1 =	ssub.s32 @!p0 $0x0, s1;
	[sflag:s0] =	ssyncset.done @!p0 $0x0  }
0xfe: {  	[sflag:s0] =	ssyncadd.s32 @!p0 s1  }
0xff: {  	[bflag:$0x3] =	sbarrier.arrive $0xFFFF  }
0x100: {  	_ =	shalt  }

</sc_bundles>
